<compile_context>
chip_gen: v7x
topology: tpu7x:2x2x1
jax: 0.10.2.dev20260603
libtpu: 0.0.44.dev20260713+nightly
codegen_flags: <defaults>
</compile_context>

<pallas_src>
import functools

import jax
import jax.numpy as jnp
from jax.experimental import pallas as pl
from jax.experimental.pallas import tpu as pltpu
from jax.experimental.pallas import tpu_sc as plsc

_S, _D = 2048, 1024
_H, _HKV, _HD = 16, 4, 64
_E, _DFF = 8, 512
_G = _H // _HKV
_QKVD = (_H + 2 * _HKV) * _HD
_EPS = 1e-6
_THETA = 10000.0
_ST = 256
_QT = 512
_T = 128
_NT = (_S * 2) // _T + _E
_NTT = _NT * _T
_NW = 32
_CH = _S // _NW


def _stage1_kernel(pos_ref, inv_ref, x_ref, w1_ref, wqkv_ref,
                   qkv_ref, cos_ref, sin_ref):
    x = x_ref[...]
    v = jnp.mean(x * x, axis=-1, keepdims=True)
    xn = w1_ref[...] * (x * jax.lax.rsqrt(v + _EPS))
    qkv_ref[...] = jax.lax.dot_general(
        xn.astype(jnp.bfloat16), wqkv_ref[...],
        (((1,), (1,)), ((), ())), preferred_element_type=jnp.float32)
    f = pos_ref[...] * inv_ref[...]
    cos_ref[...] = jnp.cos(f)
    sin_ref[...] = jnp.sin(f)


def _rope(xn, c, s):
    x1 = xn[:, : _HD // 2]
    x2 = xn[:, _HD // 2:]
    return jnp.concatenate([x1 * c - x2 * s, x2 * c + x1 * s], axis=-1)


def _attn_kernel(cos_ref, sin_ref, qln_ref, kln_ref, q_ref, kv_ref,
                 ctx_ref):
    t = pl.program_id(0)
    h2 = pl.program_id(1)
    g2 = h2 // 2
    cf = cos_ref[...]
    sf = sin_ref[...]
    cq = cos_ref[pl.ds(t * _QT, _QT), :]
    sq = sin_ref[pl.ds(t * _QT, _QT), :]

    kv = kv_ref[...]
    ksel = jnp.where(
        g2 < 2,
        jnp.where(g2 == 0, kv[:, 0:_HD], kv[:, _HD:2 * _HD]),
        jnp.where(g2 == 2, kv[:, 2 * _HD:3 * _HD], kv[:, 3 * _HD:4 * _HD]))
    vsel = jnp.where(
        g2 < 2,
        jnp.where(g2 == 0, kv[:, 4 * _HD:5 * _HD], kv[:, 5 * _HD:6 * _HD]),
        jnp.where(g2 == 2, kv[:, 6 * _HD:7 * _HD], kv[:, 7 * _HD:8 * _HD]))
    kvar = jnp.mean(ksel * ksel, axis=-1, keepdims=True)
    kn = kln_ref[...] * (ksel * jax.lax.rsqrt(kvar + _EPS))
    kr = _rope(kn, cf, sf).astype(jnp.bfloat16)
    vb = vsel.astype(jnp.bfloat16)

    qpair = q_ref[...]

    def head(q):
        qv = jnp.mean(q * q, axis=-1, keepdims=True)
        qn = qln_ref[...] * (q * jax.lax.rsqrt(qv + _EPS))
        qr = _rope(qn, cq, sq).astype(jnp.bfloat16)
        scores = jax.lax.dot_general(
            qr, kr, (((1,), (1,)), ((), ())),
            preferred_element_type=jnp.float32) * (1.0 / 8.0)
        m = jnp.max(scores, axis=-1, keepdims=True)
        p = jnp.exp(scores - m)
        attn = (p / jnp.sum(p, axis=-1, keepdims=True)).astype(jnp.bfloat16)
        return jax.lax.dot_general(
            attn, vb, (((1,), (0,)), ((), ())),
            preferred_element_type=jnp.float32)

    ctx_ref[...] = jnp.concatenate(
        [head(qpair[:, :_HD]), head(qpair[:, _HD:])], axis=-1)


def _stage3_kernel(res_ref, ctx_ref, wo_ref, ln2_ref, wr_ref,
                   h_ref, x2b_ref, we_ref, cnt_ref):
    i = pl.program_id(0)
    ao = jax.lax.dot_general(
        ctx_ref[...].astype(jnp.bfloat16), wo_ref[...],
        (((1,), (1,)), ((), ())), preferred_element_type=jnp.float32)
    h = res_ref[...] + ao
    h_ref[...] = h
    v = jnp.mean(h * h, axis=-1, keepdims=True)
    x2 = ln2_ref[...] * (h * jax.lax.rsqrt(v + _EPS))
    x2b_ref[...] = x2.astype(jnp.bfloat16)
    logits = jax.lax.dot_general(
        x2, wr_ref[...], (((1,), (1,)), ((), ())),
        preferred_element_type=jnp.float32)
    lm = jnp.max(logits, axis=-1, keepdims=True)
    el = jnp.exp(logits - lm)
    p = el / jnp.sum(el, axis=-1, keepdims=True)
    it = jax.lax.broadcasted_iota(jnp.int32, p.shape, 1)
    m1 = jnp.max(p, axis=-1, keepdims=True)
    i1 = jnp.min(jnp.where(p == m1, it, _E), axis=-1, keepdims=True)
    p2 = jnp.where(it == i1, -1.0, p)
    m2 = jnp.max(p2, axis=-1, keepdims=True)
    i2 = jnp.min(jnp.where(p2 == m2, it, _E), axis=-1, keepdims=True)
    we = jnp.where(it == i1, m1, 0.0) + jnp.where(it == i2, m2, 0.0)
    we = we / (m1 + m2)
    we_ref[...] = we
    csum = jnp.sum((we > 0.0).astype(jnp.float32), axis=0, keepdims=True)

    @pl.when(i == 0)
    def _():
        cnt_ref[...] = jnp.zeros_like(cnt_ref)

    cnt_ref[...] += csum


def _meta_kernel(cnt_ref, we_ref, dlo_ref, dhi_ref, wlo_ref, whi_ref,
                 te_ref, base_ref, carry_ref):
    i = pl.program_id(0)

    @pl.when(i == 0)
    def _():
        cnt = cnt_ref[...]
        pad = jnp.ceil(cnt * (1.0 / _T)) * float(_T)
        eu = jax.lax.broadcasted_iota(jnp.int32, (_E, _E), 0)
        ev = jax.lax.broadcasted_iota(jnp.int32, (_E, _E), 1)
        tri = (eu < ev).astype(jnp.bfloat16)
        base = jax.lax.dot_general(
            pad.astype(jnp.bfloat16), tri, (((1,), (0,)), ((), ())),
            preferred_element_type=jnp.float32)
        base_ref[...] = base
        carry_ref[...] = jnp.zeros_like(carry_ref)
        jt = (jax.lax.broadcasted_iota(jnp.int32, (_NT, _E), 0)
              .astype(jnp.float32) * float(_T))
        teb = jnp.sum((base <= jt).astype(jnp.float32), axis=1,
                      keepdims=True) - 1.0
        te_ref[...] = teb.astype(jnp.int32)

    @pl.when(i > 0)
    def _():
        we = we_ref[...]
        sel = (we > 0.0).astype(jnp.bfloat16)
        ru = jax.lax.broadcasted_iota(jnp.int32, (_ST, _ST), 0)
        rv = jax.lax.broadcasted_iota(jnp.int32, (_ST, _ST), 1)
        tril = (rv < ru).astype(jnp.bfloat16)
        rank = jax.lax.dot_general(
            tril, sel, (((1,), (0,)), ((), ())),
            preferred_element_type=jnp.float32) + carry_ref[...]
        carry_ref[...] += jnp.sum(sel.astype(jnp.float32), axis=0,
                                  keepdims=True)
        pos = (base_ref[...] + rank).astype(jnp.int32)
        selb = we > 0.0
        it = jax.lax.broadcasted_iota(jnp.int32, we.shape, 1)
        ilo = jnp.min(jnp.where(selb, it, _E), axis=-1, keepdims=True)
        ihi = jnp.max(jnp.where(selb, it, -1), axis=-1, keepdims=True)
        dlo_ref[...] = jnp.sum(jnp.where(it == ilo, pos, 0), axis=-1,
                               keepdims=True)
        dhi_ref[...] = jnp.sum(jnp.where(it == ihi, pos, 0), axis=-1,
                               keepdims=True)
        wlo_ref[...] = jnp.sum(jnp.where(it == ilo, we, 0.0), axis=-1,
                               keepdims=True)
        whi_ref[...] = jnp.sum(jnp.where(it == ihi, we, 0.0), axis=-1,
                               keepdims=True)


def _grouped_kernel(te_ref, xg_ref, wg_ref, wu_ref, wd_ref, y_ref):
    xb = xg_ref[...]
    g = jax.lax.dot_general(
        xb, wg_ref[0], (((1,), (1,)), ((), ())),
        preferred_element_type=jnp.float32)
    u = jax.lax.dot_general(
        xb, wu_ref[0], (((1,), (1,)), ((), ())),
        preferred_element_type=jnp.float32)
    a = (g * jax.nn.sigmoid(g)) * u
    y_ref[...] = jax.lax.dot_general(
        a.astype(jnp.bfloat16), wd_ref[0], (((1,), (1,)), ((), ())),
        preferred_element_type=jnp.float32).astype(jnp.bfloat16)


def _combine_kernel(h_ref, x2b_ref, ylo_ref, yhi_ref, wlo_ref, whi_ref,
                    wsg_ref, wsu_ref, wsd_ref, out_ref):
    x2b = x2b_ref[...]
    sg = jax.lax.dot_general(
        x2b, wsg_ref[...], (((1,), (1,)), ((), ())),
        preferred_element_type=jnp.float32)
    su = jax.lax.dot_general(
        x2b, wsu_ref[...], (((1,), (1,)), ((), ())),
        preferred_element_type=jnp.float32)
    ash = (sg * jax.nn.sigmoid(sg)) * su
    osh = jax.lax.dot_general(
        ash.astype(jnp.bfloat16), wsd_ref[...], (((1,), (1,)), ((), ())),
        preferred_element_type=jnp.float32)
    out_ref[...] = (h_ref[...] + osh
                    + wlo_ref[...] * ylo_ref[...].astype(jnp.float32)
                    + whi_ref[...] * yhi_ref[...].astype(jnp.float32))


def _sc_mesh():
    return plsc.VectorSubcoreMesh(core_axis_name="c", subcore_axis_name="s")


def _sc_dispatch(x2v, dlo, dhi):
    @functools.partial(
        pl.kernel,
        out_type=jax.ShapeDtypeStruct((_NTT, _D // 2), jnp.float32),
        mesh=_sc_mesh(),
        scratch_types=[pltpu.VMEM((_CH,), jnp.int32),
                       pltpu.VMEM((_CH, _D // 2), jnp.float32)],
    )
    def k(x2_hbm, dlo_hbm, dhi_hbm, xg_hbm, idx_v, rows_v):
        wid = jax.lax.axis_index("s") * 2 + jax.lax.axis_index("c")
        base = wid * _CH
        pltpu.sync_copy(x2_hbm.at[pl.ds(base, _CH)], rows_v)
        pltpu.sync_copy(dlo_hbm.at[pl.ds(base, _CH)], idx_v)
        pltpu.sync_copy(rows_v, xg_hbm.at[idx_v])
        pltpu.sync_copy(dhi_hbm.at[pl.ds(base, _CH)], idx_v)
        pltpu.sync_copy(rows_v, xg_hbm.at[idx_v])

    return k(x2v, dlo, dhi)


def _sc_combine(yv, dlo, dhi):
    @functools.partial(
        pl.kernel,
        out_type=[jax.ShapeDtypeStruct((_S, _D // 2), jnp.float32),
                  jax.ShapeDtypeStruct((_S, _D // 2), jnp.float32)],
        mesh=_sc_mesh(),
        scratch_types=[pltpu.VMEM((_CH,), jnp.int32),
                       pltpu.VMEM((_CH, _D // 2), jnp.float32),
                       pltpu.SemaphoreType.DMA],
    )
    def k(y_hbm, dlo_hbm, dhi_hbm, ylo_hbm, yhi_hbm, idx_v, rows_v, sem):
        wid = jax.lax.axis_index("s") * 2 + jax.lax.axis_index("c")
        base = wid * _CH
        pltpu.sync_copy(dlo_hbm.at[pl.ds(base, _CH)], idx_v)
        pltpu.async_copy(y_hbm.at[idx_v], rows_v, sem).wait()
        pltpu.sync_copy(rows_v, ylo_hbm.at[pl.ds(base, _CH)])
        pltpu.sync_copy(dhi_hbm.at[pl.ds(base, _CH)], idx_v)
        pltpu.async_copy(y_hbm.at[idx_v], rows_v, sem).wait()
        pltpu.sync_copy(rows_v, yhi_hbm.at[pl.ds(base, _CH)])

    return k(yv, dlo, dhi)


def kernel(hidden_states, position_ids, ln1_w, Wqkv, q_ln_w, k_ln_w, Wo,
           ln2_w, Wr, Wg, Wu, Wd, Wsg, Wsu, Wsd):
    x = hidden_states.reshape(_S, _D)
    pos = position_ids.reshape(_S, 1).astype(jnp.float32)
    inv_freq = (1.0 / (_THETA ** (jnp.arange(0, _HD, 2, dtype=jnp.float32)
                                  / _HD))).reshape(1, _HD // 2)
    ln1 = ln1_w.reshape(1, _D)
    ln2 = ln2_w.reshape(1, _D)
    qln = q_ln_w.reshape(1, _HD)
    kln = k_ln_w.reshape(1, _HD)
    wqkv_bf = Wqkv.astype(jnp.bfloat16)
    wo_bf = Wo.astype(jnp.bfloat16)

    nt = _S // _ST
    qkv, cos, sin = pl.pallas_call(
        _stage1_kernel,
        grid=(nt,),
        in_specs=[
            pl.BlockSpec((_ST, 1), lambda i: (i, 0)),
            pl.BlockSpec((1, _HD // 2), lambda i: (0, 0)),
            pl.BlockSpec((_ST, _D), lambda i: (i, 0)),
            pl.BlockSpec((1, _D), lambda i: (0, 0)),
            pl.BlockSpec((_QKVD, _D), lambda i: (0, 0)),
        ],
        out_specs=[
            pl.BlockSpec((_ST, _QKVD), lambda i: (i, 0)),
            pl.BlockSpec((_ST, _HD // 2), lambda i: (i, 0)),
            pl.BlockSpec((_ST, _HD // 2), lambda i: (i, 0)),
        ],
        out_shape=[
            jax.ShapeDtypeStruct((_S, _QKVD), jnp.float32),
            jax.ShapeDtypeStruct((_S, _HD // 2), jnp.float32),
            jax.ShapeDtypeStruct((_S, _HD // 2), jnp.float32),
        ],
    )(pos, inv_freq, x, ln1, wqkv_bf)

    ctx = pl.pallas_call(
        _attn_kernel,
        grid=(_S // _QT, _H // 2),
        in_specs=[
            pl.BlockSpec((_S, _HD // 2), lambda t, h2: (0, 0)),
            pl.BlockSpec((_S, _HD // 2), lambda t, h2: (0, 0)),
            pl.BlockSpec((1, _HD), lambda t, h2: (0, 0)),
            pl.BlockSpec((1, _HD), lambda t, h2: (0, 0)),
            pl.BlockSpec((_QT, 2 * _HD), lambda t, h2: (t, h2)),
            pl.BlockSpec((_S, 512), lambda t, h2: (0, 2)),
        ],
        out_specs=pl.BlockSpec((_QT, 2 * _HD), lambda t, h2: (t, h2)),
        out_shape=jax.ShapeDtypeStruct((_S, _H * _HD), jnp.float32),
    )(cos, sin, qln, kln, qkv, qkv)

    h, x2b, we, cnt = pl.pallas_call(
        _stage3_kernel,
        grid=(nt,),
        in_specs=[
            pl.BlockSpec((_ST, _D), lambda i: (i, 0)),
            pl.BlockSpec((_ST, _D), lambda i: (i, 0)),
            pl.BlockSpec((_D, _D), lambda i: (0, 0)),
            pl.BlockSpec((1, _D), lambda i: (0, 0)),
            pl.BlockSpec((_E, _D), lambda i: (0, 0)),
        ],
        out_specs=[
            pl.BlockSpec((_ST, _D), lambda i: (i, 0)),
            pl.BlockSpec((_ST, _D), lambda i: (i, 0)),
            pl.BlockSpec((_ST, _E), lambda i: (i, 0)),
            pl.BlockSpec((1, _E), lambda i: (0, 0)),
        ],
        out_shape=[
            jax.ShapeDtypeStruct((_S, _D), jnp.float32),
            jax.ShapeDtypeStruct((_S, _D), jnp.bfloat16),
            jax.ShapeDtypeStruct((_S, _E), jnp.float32),
            jax.ShapeDtypeStruct((1, _E), jnp.float32),
        ],
    )(x, ctx, wo_bf, ln2, Wr)

    dlo, dhi, wlo, whi, te = pl.pallas_call(
        _meta_kernel,
        grid=(nt + 1,),
        in_specs=[
            pl.BlockSpec((1, _E), lambda i: (0, 0)),
            pl.BlockSpec((_ST, _E),
                         lambda i: (jnp.maximum(i - 1, 0), 0)),
        ],
        out_specs=[
            pl.BlockSpec((_ST, 1), lambda i: (jnp.maximum(i - 1, 0), 0)),
            pl.BlockSpec((_ST, 1), lambda i: (jnp.maximum(i - 1, 0), 0)),
            pl.BlockSpec((_ST, 1), lambda i: (jnp.maximum(i - 1, 0), 0)),
            pl.BlockSpec((_ST, 1), lambda i: (jnp.maximum(i - 1, 0), 0)),
            pl.BlockSpec((_NT, 1), lambda i: (0, 0)),
        ],
        out_shape=[
            jax.ShapeDtypeStruct((_S, 1), jnp.int32),
            jax.ShapeDtypeStruct((_S, 1), jnp.int32),
            jax.ShapeDtypeStruct((_S, 1), jnp.float32),
            jax.ShapeDtypeStruct((_S, 1), jnp.float32),
            jax.ShapeDtypeStruct((_NT, 1), jnp.int32),
        ],
        scratch_shapes=[pltpu.VMEM((1, _E), jnp.float32),
                        pltpu.VMEM((1, _E), jnp.float32)],
    )(cnt, we)

    x2v = jax.lax.bitcast_convert_type(
        x2b.reshape(_S, _D // 2, 2), jnp.float32)
    dlo1 = dlo.reshape(_S)
    dhi1 = dhi.reshape(_S)
    xgv = _sc_dispatch(x2v, dlo1, dhi1)
    xg = jax.lax.bitcast_convert_type(xgv, jnp.bfloat16).reshape(_NTT, _D)

    wg8 = Wg.astype(jnp.bfloat16)
    wu8 = Wu.astype(jnp.bfloat16)
    wd8 = Wd.astype(jnp.bfloat16)

    y = pl.pallas_call(
        _grouped_kernel,
        grid_spec=pltpu.PrefetchScalarGridSpec(
            num_scalar_prefetch=1,
            grid=(_NT,),
            in_specs=[
                pl.BlockSpec((_T, _D), lambda j, te: (j, 0)),
                pl.BlockSpec((1, _DFF, _D), lambda j, te: (te[j], 0, 0)),
                pl.BlockSpec((1, _DFF, _D), lambda j, te: (te[j], 0, 0)),
                pl.BlockSpec((1, _D, _DFF), lambda j, te: (te[j], 0, 0)),
            ],
            out_specs=pl.BlockSpec((_T, _D), lambda j, te: (j, 0)),
        ),
        out_shape=jax.ShapeDtypeStruct((_NTT, _D), jnp.bfloat16),
    )(te.reshape(_NT), xg, wg8, wu8, wd8)

    yv = jax.lax.bitcast_convert_type(
        y.reshape(_NTT, _D // 2, 2), jnp.float32)
    ylov, yhiv = _sc_combine(yv, dlo1, dhi1)
    ylo = jax.lax.bitcast_convert_type(ylov, jnp.bfloat16).reshape(_S, _D)
    yhi = jax.lax.bitcast_convert_type(yhiv, jnp.bfloat16).reshape(_S, _D)

    out = pl.pallas_call(
        _combine_kernel,
        grid=(nt,),
        in_specs=[
            pl.BlockSpec((_ST, _D), lambda i: (i, 0)),
            pl.BlockSpec((_ST, _D), lambda i: (i, 0)),
            pl.BlockSpec((_ST, _D), lambda i: (i, 0)),
            pl.BlockSpec((_ST, _D), lambda i: (i, 0)),
            pl.BlockSpec((_ST, 1), lambda i: (i, 0)),
            pl.BlockSpec((_ST, 1), lambda i: (i, 0)),
            pl.BlockSpec((_DFF, _D), lambda i: (0, 0)),
            pl.BlockSpec((_DFF, _D), lambda i: (0, 0)),
            pl.BlockSpec((_D, _DFF), lambda i: (0, 0)),
        ],
        out_specs=pl.BlockSpec((_ST, _D), lambda i: (i, 0)),
        out_shape=jax.ShapeDtypeStruct((_S, _D), jnp.float32),
    )(h, x2b, ylo, yhi, wlo, whi, Wsg.astype(jnp.bfloat16),
      Wsu.astype(jnp.bfloat16), Wsd.astype(jnp.bfloat16))

    return out.reshape(1, _S, _D)

# --- scband reference (transcript-rebuilt; emitter-appended) ---
"""Pipeline reference for scband-lla-da2-moe-decoder-layer-27161373179913 (READ-ONLY COPY).

The authoritative reference and input builder live on the scoring server;
editing this copy changes nothing except your own understanding.
"""

import jax, jax.numpy as jnp
import numpy as np

B, S, D = 1, 2048, 1024
H, HKV, HD = 16, 4, 64
E, K, DFF, DSH = 8, 2, 512, 512
EPS = 1e-6
THETA = 10000.0


def setup_inputs(seed: int = 0) -> dict:
    key = jax.random.key(seed)
    ks = jax.random.split(key, 16)
    inp = {}
    inp['hidden_states'] = jax.random.normal(ks[0], (B, S, D), dtype=jnp.float32)
    inp['position_ids'] = jnp.arange(B * S, dtype=jnp.int64).reshape(B, S) % S
    inp['ln1_w'] = 1.0 + 0.02 * jax.random.normal(ks[1], (D,), dtype=jnp.float32)
    inp['Wqkv'] = 0.02 * jax.random.normal(ks[2], ((H + 2 * HKV) * HD, D), dtype=jnp.float32)
    inp['q_ln_w'] = 1.0 + 0.02 * jax.random.normal(ks[3], (HD,), dtype=jnp.float32)
    inp['k_ln_w'] = 1.0 + 0.02 * jax.random.normal(ks[4], (HD,), dtype=jnp.float32)
    inp['Wo'] = 0.02 * jax.random.normal(ks[5], (D, H * HD), dtype=jnp.float32)
    inp['ln2_w'] = 1.0 + 0.02 * jax.random.normal(ks[6], (D,), dtype=jnp.float32)
    inp['Wr'] = 0.02 * jax.random.normal(ks[7], (E, D), dtype=jnp.float32)
    inp['Wg'] = 0.02 * jax.random.normal(ks[8], (E, DFF, D), dtype=jnp.float32)
    inp['Wu'] = 0.02 * jax.random.normal(ks[9], (E, DFF, D), dtype=jnp.float32)
    inp['Wd'] = 0.02 * jax.random.normal(ks[10], (E, D, DFF), dtype=jnp.float32)
    inp['Wsg'] = 0.02 * jax.random.normal(ks[11], (DSH, D), dtype=jnp.float32)
    inp['Wsu'] = 0.02 * jax.random.normal(ks[12], (DSH, D), dtype=jnp.float32)
    inp['Wsd'] = 0.02 * jax.random.normal(ks[13], (D, DSH), dtype=jnp.float32)
    return inp


def _rms(x, w):
    xf = x.astype(jnp.float32)
    v = jnp.mean(xf * xf, axis=-1, keepdims=True)
    return w * (xf * jax.lax.rsqrt(v + EPS))


def _rotate_half(x):
    x1 = x[..., : x.shape[-1] // 2]
    x2 = x[..., x.shape[-1] // 2 :]
    return jnp.concatenate([-x2, x1], axis=-1)


def reference(hidden_states, position_ids, ln1_w, Wqkv, q_ln_w, k_ln_w, Wo, ln2_w, Wr, Wg, Wu, Wd, Wsg, Wsu, Wsd):
    residual = hidden_states
    x = _rms(hidden_states, ln1_w)
    qkv = x @ Wqkv.T
    q = qkv[..., : H * HD].reshape(B, S, H, HD).transpose(0, 2, 1, 3)
    k = qkv[..., H * HD : (H + HKV) * HD].reshape(B, S, HKV, HD).transpose(0, 2, 1, 3)
    v = qkv[..., (H + HKV) * HD :].reshape(B, S, HKV, HD).transpose(0, 2, 1, 3)
    q = _rms(q, q_ln_w)
    k = _rms(k, k_ln_w)
    inv_freq = 1.0 / (THETA ** (jnp.arange(0, HD, 2, dtype=jnp.float32) / HD))
    freqs = position_ids.astype(jnp.float32)[..., None] * inv_freq[None, None, :]
    emb = jnp.concatenate([freqs, freqs], axis=-1)
    cos = jnp.cos(emb)[:, None, :, :]
    sin = jnp.sin(emb)[:, None, :, :]
    q = q * cos + _rotate_half(q) * sin
    k = k * cos + _rotate_half(k) * sin
    k = jnp.repeat(k, H // HKV, axis=1)
    v = jnp.repeat(v, H // HKV, axis=1)
    scores = jnp.einsum('bhqd,bhkd->bhqk', q, k) / jnp.sqrt(float(HD))
    attn = jax.nn.softmax(scores.astype(jnp.float32), axis=-1)
    ctx = jnp.einsum('bhqk,bhkd->bhqd', attn, v)
    ctx = ctx.transpose(0, 2, 1, 3).reshape(B, S, H * HD)
    attn_out = ctx @ Wo.T
    h = residual + attn_out

    residual2 = h
    x2 = _rms(h, ln2_w)
    flat = x2.reshape(B * S, D)
    logits = flat @ Wr.T
    probs = jax.nn.softmax(logits.astype(jnp.float32), axis=-1)
    topw, topi = jax.lax.top_k(probs, K)
    topw = topw / jnp.sum(topw, axis=-1, keepdims=True)
    out = jnp.zeros_like(flat)
    for e in range(E):
        w_e = jnp.sum(jnp.where(topi == e, topw, 0.0), axis=-1)
        g = flat @ Wg[e].T
        u = flat @ Wu[e].T
        o = (jax.nn.silu(g) * u) @ Wd[e].T
        out = out + o * w_e[:, None]
    sg = flat @ Wsg.T
    su = flat @ Wsu.T
    out = out + (jax.nn.silu(sg) * su) @ Wsd.T
    return residual2 + out.reshape(B, S, D)

if __name__ == "__main__":
    import jax
    _d = setup_inputs()
    print(jax.jit(kernel)(*tuple(_d.values())))

</pallas_src>

<mosaic_0001>
#map = affine_map<(d0, d1) -> (0, 0)>
#map1 = affine_map<(d0, d1) -> (0)>
module attributes {stable_mosaic.version = 14 : i64} {
  func.func @k(%arg0: i32, %arg1: i32, %arg2: memref<5120x512xf32, #tpu.memory_space<hbm>>, %arg3: memref<2048xi32, #tpu.memory_space<hbm>>, %arg4: memref<2048xi32, #tpu.memory_space<hbm>>, %arg5: memref<2048x512xf32, #tpu.memory_space<hbm>>, %arg6: memref<2048x512xf32, #tpu.memory_space<hbm>>, %arg7: memref<64xi32, #tpu.memory_space<vmem>>, %arg8: memref<64x512xf32, #tpu.memory_space<vmem>>, %arg9: memref<!tpu.dma_semaphore, #tpu.memory_space<semaphore_mem>>) attributes {dimension_semantics = [#tpu.dimension_semantics<core_parallel>, #tpu.dimension_semantics<subcore_parallel>], iteration_bounds = array<i64: 2, 16>, scalar_prefetch = 0 : i64, scratch_operands = 3 : i64, tpu.core_type = #tpu.core_type<sc_vector_subcore>, window_params = [{transform_indices = #map}, {transform_indices = #map1}, {transform_indices = #map1}, {transform_indices = #map}, {transform_indices = #map}]} {
    %mul3A = arith.constant 2 : i32
    %mul3A_0 = arith.muli %arg1, %mul3A : i32
    %add3A = arith.addi %mul3A_0, %arg0 : i32
    %mul3A_1 = arith.constant 64 : i32
    %mul3A_2 = arith.muli %add3A, %mul3A_1 : i32
    "tpu.region"() ({
      %run_scoped3A = tpu.sem_alloc : memref<!tpu.dma_semaphore, #tpu.memory_space<semaphore_mem>>
      %dma_start3A_13 = tpu.memref_slice %arg3[%mul3A_2] : memref<2048xi32, #tpu.memory_space<hbm>> -> memref<64xi32, #tpu.memory_space<hbm>>
      %dma_start3A_14 = tpu.memref_slice %arg3[%mul3A_2] : memref<2048xi32, #tpu.memory_space<hbm>> -> memref<64xi32, #tpu.memory_space<hbm>>
      tpu.enqueue_dma source(%dma_start3A_14 : memref<64xi32, #tpu.memory_space<hbm>>) target(%arg7 : memref<64xi32, #tpu.memory_space<vmem>>) target_semaphore(%run_scoped3A : memref<!tpu.dma_semaphore, #tpu.memory_space<semaphore_mem>>)
      %dma_wait3A_15 = tpu.memref_slice %arg3[%mul3A_2] : memref<2048xi32, #tpu.memory_space<hbm>> -> memref<64xi32, #tpu.memory_space<hbm>>
      %dma_wait3A_16 = tpu.memref_slice %arg3[%mul3A_2] : memref<2048xi32, #tpu.memory_space<hbm>> -> memref<64xi32, #tpu.memory_space<hbm>>
      tpu.wait_dma2 semaphore(%run_scoped3A : memref<!tpu.dma_semaphore, #tpu.memory_space<semaphore_mem>>) src(%dma_wait3A_16 : memref<64xi32, #tpu.memory_space<hbm>>) dst(%arg7 : memref<64xi32, #tpu.memory_space<vmem>>)
      tpu.yield
    }) : () -> ()
    %dma_start3A = arith.constant 0 : i32
    %dma_start3A_3 = arith.constant 0 : i32
    %dma_start3A_4 = tpu.memref_slice %arg2[%dma_start3A, %dma_start3A_3] : memref<5120x512xf32, #tpu.memory_space<hbm>> -> memref<5120x512xf32, #tpu.memory_space<hbm>>
    tpu.enqueue_indirect_dma source(%dma_start3A_4 : memref<5120x512xf32, #tpu.memory_space<hbm>>) target(%arg8 : memref<64x512xf32, #tpu.memory_space<vmem>>) offsets(%arg7 : memref<64xi32, #tpu.memory_space<vmem>>) semaphore(%arg9 : memref<!tpu.dma_semaphore, #tpu.memory_space<semaphore_mem>>)
    %dma_wait3A = arith.constant 0 : i32
    %dma_wait3A_5 = arith.constant 0 : i32
    %dma_wait3A_6 = tpu.memref_slice %arg2[%dma_wait3A, %dma_wait3A_5] : memref<5120x512xf32, #tpu.memory_space<hbm>> -> memref<5120x512xf32, #tpu.memory_space<hbm>>
    tpu.wait_indirect_dma semaphore(%arg9 : memref<!tpu.dma_semaphore, #tpu.memory_space<semaphore_mem>>) src(%dma_wait3A_6 : memref<5120x512xf32, #tpu.memory_space<hbm>>) dst(%arg8 : memref<64x512xf32, #tpu.memory_space<vmem>>)
    "tpu.region"() ({
      %run_scoped3A = tpu.sem_alloc : memref<!tpu.dma_semaphore, #tpu.memory_space<semaphore_mem>>
      %dma_start3A_13 = arith.constant 0 : i32
      %dma_start3A_14 = tpu.memref_slice %arg5[%mul3A_2, %dma_start3A_13] : memref<2048x512xf32, #tpu.memory_space<hbm>> -> memref<64x512xf32, #tpu.memory_space<hbm>>
      %dma_start3A_15 = arith.constant 0 : i32
      %dma_start3A_16 = tpu.memref_slice %arg5[%mul3A_2, %dma_start3A_15] : memref<2048x512xf32, #tpu.memory_space<hbm>> -> memref<64x512xf32, #tpu.memory_space<hbm>>
      tpu.enqueue_dma source(%arg8 : memref<64x512xf32, #tpu.memory_space<vmem>>) target(%dma_start3A_16 : memref<64x512xf32, #tpu.memory_space<hbm>>) target_semaphore(%run_scoped3A : memref<!tpu.dma_semaphore, #tpu.memory_space<semaphore_mem>>)
      %dma_wait3A_17 = arith.constant 0 : i32
      %dma_wait3A_18 = tpu.memref_slice %arg5[%mul3A_2, %dma_wait3A_17] : memref<2048x512xf32, #tpu.memory_space<hbm>> -> memref<64x512xf32, #tpu.memory_space<hbm>>
      %dma_wait3A_19 = arith.constant 0 : i32
      %dma_wait3A_20 = tpu.memref_slice %arg5[%mul3A_2, %dma_wait3A_19] : memref<2048x512xf32, #tpu.memory_space<hbm>> -> memref<64x512xf32, #tpu.memory_space<hbm>>
      tpu.wait_dma2 semaphore(%run_scoped3A : memref<!tpu.dma_semaphore, #tpu.memory_space<semaphore_mem>>) src(%arg8 : memref<64x512xf32, #tpu.memory_space<vmem>>) dst(%dma_wait3A_20 : memref<64x512xf32, #tpu.memory_space<hbm>>)
      tpu.yield
    }) : () -> ()
    "tpu.region"() ({
      %run_scoped3A = tpu.sem_alloc : memref<!tpu.dma_semaphore, #tpu.memory_space<semaphore_mem>>
      %dma_start3A_13 = tpu.memref_slice %arg4[%mul3A_2] : memref<2048xi32, #tpu.memory_space<hbm>> -> memref<64xi32, #tpu.memory_space<hbm>>
      %dma_start3A_14 = tpu.memref_slice %arg4[%mul3A_2] : memref<2048xi32, #tpu.memory_space<hbm>> -> memref<64xi32, #tpu.memory_space<hbm>>
      tpu.enqueue_dma source(%dma_start3A_14 : memref<64xi32, #tpu.memory_space<hbm>>) target(%arg7 : memref<64xi32, #tpu.memory_space<vmem>>) target_semaphore(%run_scoped3A : memref<!tpu.dma_semaphore, #tpu.memory_space<semaphore_mem>>)
      %dma_wait3A_15 = tpu.memref_slice %arg4[%mul3A_2] : memref<2048xi32, #tpu.memory_space<hbm>> -> memref<64xi32, #tpu.memory_space<hbm>>
      %dma_wait3A_16 = tpu.memref_slice %arg4[%mul3A_2] : memref<2048xi32, #tpu.memory_space<hbm>> -> memref<64xi32, #tpu.memory_space<hbm>>
      tpu.wait_dma2 semaphore(%run_scoped3A : memref<!tpu.dma_semaphore, #tpu.memory_space<semaphore_mem>>) src(%dma_wait3A_16 : memref<64xi32, #tpu.memory_space<hbm>>) dst(%arg7 : memref<64xi32, #tpu.memory_space<vmem>>)
      tpu.yield
    }) : () -> ()
    %dma_start3A_7 = arith.constant 0 : i32
    %dma_start3A_8 = arith.constant 0 : i32
    %dma_start3A_9 = tpu.memref_slice %arg2[%dma_start3A_7, %dma_start3A_8] : memref<5120x512xf32, #tpu.memory_space<hbm>> -> memref<5120x512xf32, #tpu.memory_space<hbm>>
    tpu.enqueue_indirect_dma source(%dma_start3A_9 : memref<5120x512xf32, #tpu.memory_space<hbm>>) target(%arg8 : memref<64x512xf32, #tpu.memory_space<vmem>>) offsets(%arg7 : memref<64xi32, #tpu.memory_space<vmem>>) semaphore(%arg9 : memref<!tpu.dma_semaphore, #tpu.memory_space<semaphore_mem>>)
    %dma_wait3A_10 = arith.constant 0 : i32
    %dma_wait3A_11 = arith.constant 0 : i32
    %dma_wait3A_12 = tpu.memref_slice %arg2[%dma_wait3A_10, %dma_wait3A_11] : memref<5120x512xf32, #tpu.memory_space<hbm>> -> memref<5120x512xf32, #tpu.memory_space<hbm>>
    tpu.wait_indirect_dma semaphore(%arg9 : memref<!tpu.dma_semaphore, #tpu.memory_space<semaphore_mem>>) src(%dma_wait3A_12 : memref<5120x512xf32, #tpu.memory_space<hbm>>) dst(%arg8 : memref<64x512xf32, #tpu.memory_space<vmem>>)
    "tpu.region"() ({
      %run_scoped3A = tpu.sem_alloc : memref<!tpu.dma_semaphore, #tpu.memory_space<semaphore_mem>>
      %dma_start3A_13 = arith.constant 0 : i32
      %dma_start3A_14 = tpu.memref_slice %arg6[%mul3A_2, %dma_start3A_13] : memref<2048x512xf32, #tpu.memory_space<hbm>> -> memref<64x512xf32, #tpu.memory_space<hbm>>
      %dma_start3A_15 = arith.constant 0 : i32
      %dma_start3A_16 = tpu.memref_slice %arg6[%mul3A_2, %dma_start3A_15] : memref<2048x512xf32, #tpu.memory_space<hbm>> -> memref<64x512xf32, #tpu.memory_space<hbm>>
      tpu.enqueue_dma source(%arg8 : memref<64x512xf32, #tpu.memory_space<vmem>>) target(%dma_start3A_16 : memref<64x512xf32, #tpu.memory_space<hbm>>) target_semaphore(%run_scoped3A : memref<!tpu.dma_semaphore, #tpu.memory_space<semaphore_mem>>)
      %dma_wait3A_17 = arith.constant 0 : i32
      %dma_wait3A_18 = tpu.memref_slice %arg6[%mul3A_2, %dma_wait3A_17] : memref<2048x512xf32, #tpu.memory_space<hbm>> -> memref<64x512xf32, #tpu.memory_space<hbm>>
      %dma_wait3A_19 = arith.constant 0 : i32
      %dma_wait3A_20 = tpu.memref_slice %arg6[%mul3A_2, %dma_wait3A_19] : memref<2048x512xf32, #tpu.memory_space<hbm>> -> memref<64x512xf32, #tpu.memory_space<hbm>>
      tpu.wait_dma2 semaphore(%run_scoped3A : memref<!tpu.dma_semaphore, #tpu.memory_space<semaphore_mem>>) src(%arg8 : memref<64x512xf32, #tpu.memory_space<vmem>>) dst(%dma_wait3A_20 : memref<64x512xf32, #tpu.memory_space<hbm>>)
      tpu.yield
    }) : () -> ()
    return
  }
}

#map = affine_map<(d0, d1) -> (0, 0)>
#map1 = affine_map<(d0, d1) -> (0)>
module attributes {stable_mosaic.version = 14 : i64} {
  func.func @k(%arg0: i32, %arg1: i32, %arg2: memref<2048x512xf32, #tpu.memory_space<hbm>>, %arg3: memref<2048xi32, #tpu.memory_space<hbm>>, %arg4: memref<2048xi32, #tpu.memory_space<hbm>>, %arg5: memref<5120x512xf32, #tpu.memory_space<hbm>>, %arg6: memref<64xi32, #tpu.memory_space<vmem>>, %arg7: memref<64x512xf32, #tpu.memory_space<vmem>>) attributes {dimension_semantics = [#tpu.dimension_semantics<core_parallel>, #tpu.dimension_semantics<subcore_parallel>], iteration_bounds = array<i64: 2, 16>, scalar_prefetch = 0 : i64, scratch_operands = 2 : i64, tpu.core_type = #tpu.core_type<sc_vector_subcore>, window_params = [{transform_indices = #map}, {transform_indices = #map1}, {transform_indices = #map1}, {transform_indices = #map}]} {
    %mul3A = arith.constant 2 : i32
    %mul3A_0 = arith.muli %arg1, %mul3A : i32
    %add3A = arith.addi %mul3A_0, %arg0 : i32
    %mul3A_1 = arith.constant 64 : i32
    %mul3A_2 = arith.muli %add3A, %mul3A_1 : i32
    "tpu.region"() ({
      %run_scoped3A = tpu.sem_alloc : memref<!tpu.dma_semaphore, #tpu.memory_space<semaphore_mem>>
      %dma_start3A = arith.constant 0 : i32
      %dma_start3A_3 = tpu.memref_slice %arg2[%mul3A_2, %dma_start3A] : memref<2048x512xf32, #tpu.memory_space<hbm>> -> memref<64x512xf32, #tpu.memory_space<hbm>>
      %dma_start3A_4 = arith.constant 0 : i32
      %dma_start3A_5 = tpu.memref_slice %arg2[%mul3A_2, %dma_start3A_4] : memref<2048x512xf32, #tpu.memory_space<hbm>> -> memref<64x512xf32, #tpu.memory_space<hbm>>
      tpu.enqueue_dma source(%dma_start3A_5 : memref<64x512xf32, #tpu.memory_space<hbm>>) target(%arg7 : memref<64x512xf32, #tpu.memory_space<vmem>>) target_semaphore(%run_scoped3A : memref<!tpu.dma_semaphore, #tpu.memory_space<semaphore_mem>>)
      %dma_wait3A = arith.constant 0 : i32
      %dma_wait3A_6 = tpu.memref_slice %arg2[%mul3A_2, %dma_wait3A] : memref<2048x512xf32, #tpu.memory_space<hbm>> -> memref<64x512xf32, #tpu.memory_space<hbm>>
      %dma_wait3A_7 = arith.constant 0 : i32
      %dma_wait3A_8 = tpu.memref_slice %arg2[%mul3A_2, %dma_wait3A_7] : memref<2048x512xf32, #tpu.memory_space<hbm>> -> memref<64x512xf32, #tpu.memory_space<hbm>>
      tpu.wait_dma2 semaphore(%run_scoped3A : memref<!tpu.dma_semaphore, #tpu.memory_space<semaphore_mem>>) src(%dma_wait3A_8 : memref<64x512xf32, #tpu.memory_space<hbm>>) dst(%arg7 : memref<64x512xf32, #tpu.memory_space<vmem>>)
      tpu.yield
    }) : () -> ()
    "tpu.region"() ({
      %run_scoped3A = tpu.sem_alloc : memref<!tpu.dma_semaphore, #tpu.memory_space<semaphore_mem>>
      %dma_start3A = tpu.memref_slice %arg3[%mul3A_2] : memref<2048xi32, #tpu.memory_space<hbm>> -> memref<64xi32, #tpu.memory_space<hbm>>
      %dma_start3A_3 = tpu.memref_slice %arg3[%mul3A_2] : memref<2048xi32, #tpu.memory_space<hbm>> -> memref<64xi32, #tpu.memory_space<hbm>>
      tpu.enqueue_dma source(%dma_start3A_3 : memref<64xi32, #tpu.memory_space<hbm>>) target(%arg6 : memref<64xi32, #tpu.memory_space<vmem>>) target_semaphore(%run_scoped3A : memref<!tpu.dma_semaphore, #tpu.memory_space<semaphore_mem>>)
      %dma_wait3A = tpu.memref_slice %arg3[%mul3A_2] : memref<2048xi32, #tpu.memory_space<hbm>> -> memref<64xi32, #tpu.memory_space<hbm>>
      %dma_wait3A_4 = tpu.memref_slice %arg3[%mul3A_2] : memref<2048xi32, #tpu.memory_space<hbm>> -> memref<64xi32, #tpu.memory_space<hbm>>
      tpu.wait_dma2 semaphore(%run_scoped3A : memref<!tpu.dma_semaphore, #tpu.memory_space<semaphore_mem>>) src(%dma_wait3A_4 : memref<64xi32, #tpu.memory_space<hbm>>) dst(%arg6 : memref<64xi32, #tpu.memory_space<vmem>>)
      tpu.yield
    }) : () -> ()
    "tpu.region"() ({
      %run_scoped3A = tpu.sem_alloc : memref<!tpu.dma_semaphore, #tpu.memory_space<semaphore_mem>>
      %dma_start3A = arith.constant 0 : i32
      %dma_start3A_3 = arith.constant 0 : i32
      %dma_start3A_4 = tpu.memref_slice %arg5[%dma_start3A, %dma_start3A_3] : memref<5120x512xf32, #tpu.memory_space<hbm>> -> memref<5120x512xf32, #tpu.memory_space<hbm>>
      tpu.enqueue_indirect_dma source(%arg7 : memref<64x512xf32, #tpu.memory_space<vmem>>) target(%dma_start3A_4 : memref<5120x512xf32, #tpu.memory_space<hbm>>) offsets(%arg6 : memref<64xi32, #tpu.memory_space<vmem>>) semaphore(%run_scoped3A : memref<!tpu.dma_semaphore, #tpu.memory_space<semaphore_mem>>)
      %dma_wait3A = arith.constant 0 : i32
      %dma_wait3A_5 = arith.constant 0 : i32
      %dma_wait3A_6 = tpu.memref_slice %arg5[%dma_wait3A, %dma_wait3A_5] : memref<5120x512xf32, #tpu.memory_space<hbm>> -> memref<5120x512xf32, #tpu.memory_space<hbm>>
      tpu.wait_indirect_dma semaphore(%run_scoped3A : memref<!tpu.dma_semaphore, #tpu.memory_space<semaphore_mem>>) src(%arg7 : memref<64x512xf32, #tpu.memory_space<vmem>>) dst(%dma_wait3A_6 : memref<5120x512xf32, #tpu.memory_space<hbm>>)
      tpu.yield
    }) : () -> ()
    "tpu.region"() ({
      %run_scoped3A = tpu.sem_alloc : memref<!tpu.dma_semaphore, #tpu.memory_space<semaphore_mem>>
      %dma_start3A = tpu.memref_slice %arg4[%mul3A_2] : memref<2048xi32, #tpu.memory_space<hbm>> -> memref<64xi32, #tpu.memory_space<hbm>>
      %dma_start3A_3 = tpu.memref_slice %arg4[%mul3A_2] : memref<2048xi32, #tpu.memory_space<hbm>> -> memref<64xi32, #tpu.memory_space<hbm>>
      tpu.enqueue_dma source(%dma_start3A_3 : memref<64xi32, #tpu.memory_space<hbm>>) target(%arg6 : memref<64xi32, #tpu.memory_space<vmem>>) target_semaphore(%run_scoped3A : memref<!tpu.dma_semaphore, #tpu.memory_space<semaphore_mem>>)
      %dma_wait3A = tpu.memref_slice %arg4[%mul3A_2] : memref<2048xi32, #tpu.memory_space<hbm>> -> memref<64xi32, #tpu.memory_space<hbm>>
      %dma_wait3A_4 = tpu.memref_slice %arg4[%mul3A_2] : memref<2048xi32, #tpu.memory_space<hbm>> -> memref<64xi32, #tpu.memory_space<hbm>>
      tpu.wait_dma2 semaphore(%run_scoped3A : memref<!tpu.dma_semaphore, #tpu.memory_space<semaphore_mem>>) src(%dma_wait3A_4 : memref<64xi32, #tpu.memory_space<hbm>>) dst(%arg6 : memref<64xi32, #tpu.memory_space<vmem>>)
      tpu.yield
    }) : () -> ()
    "tpu.region"() ({
      %run_scoped3A = tpu.sem_alloc : memref<!tpu.dma_semaphore, #tpu.memory_space<semaphore_mem>>
      %dma_start3A = arith.constant 0 : i32
      %dma_start3A_3 = arith.constant 0 : i32
      %dma_start3A_4 = tpu.memref_slice %arg5[%dma_start3A, %dma_start3A_3] : memref<5120x512xf32, #tpu.memory_space<hbm>> -> memref<5120x512xf32, #tpu.memory_space<hbm>>
      tpu.enqueue_indirect_dma source(%arg7 : memref<64x512xf32, #tpu.memory_space<vmem>>) target(%dma_start3A_4 : memref<5120x512xf32, #tpu.memory_space<hbm>>) offsets(%arg6 : memref<64xi32, #tpu.memory_space<vmem>>) semaphore(%run_scoped3A : memref<!tpu.dma_semaphore, #tpu.memory_space<semaphore_mem>>)
      %dma_wait3A = arith.constant 0 : i32
      %dma_wait3A_5 = arith.constant 0 : i32
      %dma_wait3A_6 = tpu.memref_slice %arg5[%dma_wait3A, %dma_wait3A_5] : memref<5120x512xf32, #tpu.memory_space<hbm>> -> memref<5120x512xf32, #tpu.memory_space<hbm>>
      tpu.wait_indirect_dma semaphore(%run_scoped3A : memref<!tpu.dma_semaphore, #tpu.memory_space<semaphore_mem>>) src(%arg7 : memref<64x512xf32, #tpu.memory_space<vmem>>) dst(%dma_wait3A_6 : memref<5120x512xf32, #tpu.memory_space<hbm>>)
      tpu.yield
    }) : () -> ()
    return
  }
}

module attributes {stable_mosaic.version = 14 : i64} {
  func.func @_stage1_kernel(%arg0: i32, %arg1: memref<256x1xf32, #tpu.memory_space<vmem>>, %arg2: memref<1x32xf32, #tpu.memory_space<vmem>>, %arg3: memref<256x1024xf32, #tpu.memory_space<vmem>>, %arg4: memref<1x1024xf32, #tpu.memory_space<vmem>>, %arg5: memref<1536x1024xbf16, #tpu.memory_space<vmem>>, %arg6: memref<256x1536xf32, #tpu.memory_space<vmem>>, %arg7: memref<256x32xf32, #tpu.memory_space<vmem>>, %arg8: memref<256x32xf32, #tpu.memory_space<vmem>>) attributes {dimension_semantics = [#tpu.dimension_semantics<arbitrary>], iteration_bounds = array<i64: 8>, scalar_prefetch = 0 : i64, scratch_operands = 0 : i64, tpu.core_type = #tpu.core_type<tc>, window_params = [{transform_indices = @transform_0, window_bounds = array<i64: 256, 1>}, {pipeline_mode = #tpu.pipeline_mode<synchronous>, transform_indices = @transform_1, window_bounds = array<i64: 1, 32>}, {transform_indices = @transform_2, window_bounds = array<i64: 256, 1024>}, {pipeline_mode = #tpu.pipeline_mode<synchronous>, transform_indices = @transform_3, window_bounds = array<i64: 1, 1024>}, {pipeline_mode = #tpu.pipeline_mode<synchronous>, transform_indices = @transform_4, window_bounds = array<i64: 1536, 1024>}, {transform_indices = @transform_5, window_bounds = array<i64: 256, 1536>}, {transform_indices = @transform_6, window_bounds = array<i64: 256, 32>}, {transform_indices = @transform_7, window_bounds = array<i64: 256, 32>}]} {
    %get3A = arith.constant 0 : index
    %get3A_0 = arith.constant 0 : index
    %get3A_1 = vector.load %arg3[%get3A, %get3A_0] : memref<256x1024xf32, #tpu.memory_space<vmem>>, vector<256x1024xf32>
    %mul3A = arith.mulf %get3A_1, %get3A_1 : vector<256x1024xf32>
    %reduce_sum3A = arith.constant dense<0.000000e+00> : vector<256xf32>
    %reduce_sum3A_2 = vector.multi_reduction <add>, %mul3A, %reduce_sum3A [1] : vector<256x1024xf32> to vector<256xf32>
    %broadcast_in_dim3A = vector.shape_cast %reduce_sum3A_2 : vector<256xf32> to vector<256x1xf32>
    %div3A = arith.constant 1.024000e+03 : f32
    %div3A_3 = vector.broadcast %div3A : f32 to vector<256x1xf32>
    %div3A_4 = arith.divf %broadcast_in_dim3A, %div3A_3 : vector<256x1xf32>
    %get3A_5 = arith.constant 0 : index
    %get3A_6 = arith.constant 0 : index
    %get3A_7 = vector.load %arg4[%get3A_5, %get3A_6] : memref<1x1024xf32, #tpu.memory_space<vmem>>, vector<1x1024xf32>
    %add3A = arith.constant 9.99999997E-7 : f32
    %add3A_8 = vector.broadcast %add3A : f32 to vector<256x1xf32>
    %add3A_9 = arith.addf %div3A_4, %add3A_8 : vector<256x1xf32>
    %rsqrt3A = math.rsqrt %add3A_9 : vector<256x1xf32>
    %mul3A_10 = vector.broadcast %rsqrt3A : vector<256x1xf32> to vector<256x1024xf32>
    %mul3A_11 = arith.mulf %get3A_1, %mul3A_10 : vector<256x1024xf32>
    %mul3A_12 = vector.broadcast %get3A_7 : vector<1x1024xf32> to vector<256x1024xf32>
    %mul3A_13 = arith.mulf %mul3A_12, %mul3A_11 : vector<256x1024xf32>
    %convert_element_type3A = arith.truncf %mul3A_13 : vector<256x1024xf32> to vector<256x1024xbf16>
    %get3A_14 = arith.constant 0 : index
    %get3A_15 = arith.constant 0 : index
    %get3A_16 = vector.load %arg5[%get3A_14, %get3A_15] : memref<1536x1024xbf16, #tpu.memory_space<vmem>>, vector<1536x1024xbf16>
    %dot_general3A = arith.constant dense<0.000000e+00> : vector<256x1536xf32>
    %dot_general3A_17 = tpu.matmul %convert_element_type3A, %get3A_16, %dot_general3A {dimension_numbers = #tpu.dot_dimension_numbers<[1], [1], [0], [0], [0, 0, 1, 0], [], []>, transpose_lhs_hint = false} : vector<256x1024xbf16>, vector<1536x1024xbf16>, vector<256x1536xf32> -> vector<256x1536xf32>
    %swap3A = arith.constant 0 : index
    %swap3A_18 = arith.constant 0 : index
    %swap3A_19 = vector.load %arg6[%swap3A, %swap3A_18] : memref<256x1536xf32, #tpu.memory_space<vmem>>, vector<256x1536xf32>
    tpu.vector_store %arg6[%swap3A, %swap3A_18], %dot_general3A_17 {strides = array<i32>} : memref<256x1536xf32, #tpu.memory_space<vmem>>, vector<256x1536xf32>,
    %get3A_20 = arith.constant 0 : index
    %get3A_21 = arith.constant 0 : index
    %get3A_22 = vector.load %arg1[%get3A_20, %get3A_21] : memref<256x1xf32, #tpu.memory_space<vmem>>, vector<256x1xf32>
    %get3A_23 = arith.constant 0 : index
    %get3A_24 = arith.constant 0 : index
    %get3A_25 = vector.load %arg2[%get3A_23, %get3A_24] : memref<1x32xf32, #tpu.memory_space<vmem>>, vector<1x32xf32>
    %mul3A_26 = vector.broadcast %get3A_22 : vector<256x1xf32> to vector<256x32xf32>
    %mul3A_27 = vector.broadcast %get3A_25 : vector<1x32xf32> to vector<256x32xf32>
    %mul3A_28 = arith.mulf %mul3A_26, %mul3A_27 : vector<256x32xf32>
    %cos3A = math.cos %mul3A_28 : vector<256x32xf32>
    %swap3A_29 = arith.constant 0 : index
    %swap3A_30 = arith.constant 0 : index
    %swap3A_31 = vector.load %arg7[%swap3A_29, %swap3A_30] : memref<256x32xf32, #tpu.memory_space<vmem>>, vector<256x32xf32>
    tpu.vector_store %arg7[%swap3A_29, %swap3A_30], %cos3A {strides = array<i32>} : memref<256x32xf32, #tpu.memory_space<vmem>>, vector<256x32xf32>,
    %sin3A = math.sin %mul3A_28 : vector<256x32xf32>
    %swap3A_32 = arith.constant 0 : index
    %swap3A_33 = arith.constant 0 : index
    %swap3A_34 = vector.load %arg8[%swap3A_32, %swap3A_33] : memref<256x32xf32, #tpu.memory_space<vmem>>, vector<256x32xf32>
    tpu.vector_store %arg8[%swap3A_32, %swap3A_33], %sin3A {strides = array<i32>} : memref<256x32xf32, #tpu.memory_space<vmem>>, vector<256x32xf32>,
    return
  }
  func.func @transform_0(%arg0: i32) -> (i32, i32) {
    %c0_i32 = arith.constant 0 : i32
    %c0_i32_0 = arith.constant 0 : i32
    return %arg0, %c0_i32 : i32, i32
  }
  func.func @transform_1(%arg0: i32) -> (i32, i32) {
    %c0_i32 = arith.constant 0 : i32
    %c0_i32_0 = arith.constant 0 : i32
    %c0_i32_1 = arith.constant 0 : i32
    return %c0_i32, %c0_i32_0 : i32, i32
  }
  func.func @transform_2(%arg0: i32) -> (i32, i32) {
    %c0_i32 = arith.constant 0 : i32
    %c0_i32_0 = arith.constant 0 : i32
    return %arg0, %c0_i32 : i32, i32
  }
  func.func @transform_3(%arg0: i32) -> (i32, i32) {
    %c0_i32 = arith.constant 0 : i32
    %c0_i32_0 = arith.constant 0 : i32
    %c0_i32_1 = arith.constant 0 : i32
    return %c0_i32, %c0_i32_0 : i32, i32
  }
  func.func @transform_4(%arg0: i32) -> (i32, i32) {
    %c0_i32 = arith.constant 0 : i32
    %c0_i32_0 = arith.constant 0 : i32
    %c0_i32_1 = arith.constant 0 : i32
    return %c0_i32, %c0_i32_0 : i32, i32
  }
  func.func @transform_5(%arg0: i32) -> (i32, i32) {
    %c0_i32 = arith.constant 0 : i32
    %c0_i32_0 = arith.constant 0 : i32
    return %arg0, %c0_i32 : i32, i32
  }
  func.func @transform_6(%arg0: i32) -> (i32, i32) {
    %c0_i32 = arith.constant 0 : i32
    %c0_i32_0 = arith.constant 0 : i32
    return %arg0, %c0_i32 : i32, i32
  }
  func.func @transform_7(%arg0: i32) -> (i32, i32) {
    %c0_i32 = arith.constant 0 : i32
    %c0_i32_0 = arith.constant 0 : i32
    return %arg0, %c0_i32 : i32, i32
  }
}

module attributes {stable_mosaic.version = 14 : i64} {
  func.func @_attn_kernel(%arg0: i32, %arg1: i32, %arg2: memref<2048x32xf32, #tpu.memory_space<vmem>>, %arg3: memref<2048x32xf32, #tpu.memory_space<vmem>>, %arg4: memref<1x64xf32, #tpu.memory_space<vmem>>, %arg5: memref<1x64xf32, #tpu.memory_space<vmem>>, %arg6: memref<512x128xf32, #tpu.memory_space<vmem>>, %arg7: memref<2048x512xf32, #tpu.memory_space<vmem>>, %arg8: memref<512x128xf32, #tpu.memory_space<vmem>>) attributes {dimension_semantics = [#tpu.dimension_semantics<arbitrary>, #tpu.dimension_semantics<arbitrary>], iteration_bounds = array<i64: 4, 8>, scalar_prefetch = 0 : i64, scratch_operands = 0 : i64, tpu.core_type = #tpu.core_type<tc>, window_params = [{pipeline_mode = #tpu.pipeline_mode<synchronous>, transform_indices = @transform_0, window_bounds = array<i64: 2048, 32>}, {pipeline_mode = #tpu.pipeline_mode<synchronous>, transform_indices = @transform_1, window_bounds = array<i64: 2048, 32>}, {pipeline_mode = #tpu.pipeline_mode<synchronous>, transform_indices = @transform_2, window_bounds = array<i64: 1, 64>}, {pipeline_mode = #tpu.pipeline_mode<synchronous>, transform_indices = @transform_3, window_bounds = array<i64: 1, 64>}, {transform_indices = @transform_4, window_bounds = array<i64: 512, 128>}, {transform_indices = @transform_5, window_bounds = array<i64: 2048, 512>}, {transform_indices = @transform_6, window_bounds = array<i64: 512, 128>}]} {
    %jit3A = arith.constant 2 : i32
    %div3A = arith.divsi %arg1, %jit3A : i32
    %sign3A = arith.constant 0 : i32
    %sign3A_0 = arith.cmpi sgt, %arg1, %sign3A : i32
    %sign3A_1 = arith.extui %sign3A_0 : i1 to i32
    %sign3A_2 = arith.constant 0 : i32
    %sign3A_3 = arith.cmpi slt, %arg1, %sign3A_2 : i32
    %sign3A_4 = arith.extui %sign3A_3 : i1 to i32
    %sign3A_5 = arith.subi %sign3A_1, %sign3A_4 : i32
    %sign3A_6 = arith.constant 0 : i32
    %sign3A_7 = arith.cmpi sgt, %jit3A, %sign3A_6 : i32
    %sign3A_8 = arith.extui %sign3A_7 : i1 to i32
    %sign3A_9 = arith.constant 0 : i32
    %sign3A_10 = arith.cmpi slt, %jit3A, %sign3A_9 : i32
    %sign3A_11 = arith.extui %sign3A_10 : i1 to i32
    %sign3A_12 = arith.subi %sign3A_8, %sign3A_11 : i32
    %ne3A = arith.cmpi ne, %sign3A_5, %sign3A_12 : i32
    %rem3A = arith.remsi %arg1, %jit3A : i32
    %ne3A_13 = arith.constant 0 : i32
    %ne3A_14 = arith.cmpi ne, %rem3A, %ne3A_13 : i32
    %and3A = arith.andi %ne3A, %ne3A_14 : i1
    %sub3A = arith.constant 1 : i32
    %sub3A_15 = arith.subi %div3A, %sub3A : i32
    %select_n3A = arith.select %and3A, %sub3A_15, %div3A : i32
    %get3A = arith.constant 0 : index
    %get3A_16 = arith.constant 0 : index
    %get3A_17 = vector.load %arg2[%get3A, %get3A_16] : memref<2048x32xf32, #tpu.memory_space<vmem>>, vector<2048x32xf32>
    %get3A_18 = arith.constant 0 : index
    %get3A_19 = arith.constant 0 : index
    %get3A_20 = vector.load %arg3[%get3A_18, %get3A_19] : memref<2048x32xf32, #tpu.memory_space<vmem>>, vector<2048x32xf32>
    %mul3A = arith.constant 512 : i32
    %mul3A_21 = arith.muli %arg0, %mul3A : i32
    %get3A_22 = arith.index_cast %mul3A_21 : i32 to index
    %get3A_23 = arith.constant 0 : index
    %get3A_24 = vector.load %arg2[%get3A_22, %get3A_23] : memref<2048x32xf32, #tpu.memory_space<vmem>>, vector<512x32xf32>
    %mul3A_25 = arith.constant 512 : i32
    %mul3A_26 = arith.muli %arg0, %mul3A_25 : i32
    %get3A_27 = arith.index_cast %mul3A_26 : i32 to index
    %get3A_28 = arith.constant 0 : index
    %get3A_29 = vector.load %arg3[%get3A_27, %get3A_28] : memref<2048x32xf32, #tpu.memory_space<vmem>>, vector<512x32xf32>
    %get3A_30 = arith.constant 0 : index
    %get3A_31 = arith.constant 0 : index
    %get3A_32 = vector.load %arg7[%get3A_30, %get3A_31] : memref<2048x512xf32, #tpu.memory_space<vmem>>, vector<2048x512xf32>
    %lt3A = arith.constant 2 : i32
    %lt3A_33 = arith.cmpi slt, %select_n3A, %lt3A : i32
    %eq3A = arith.constant 0 : i32
    %eq3A_34 = arith.cmpi eq, %select_n3A, %eq3A : i32
    %slice3A = vector.extract_strided_slice %get3A_32 {offsets = [0, 0], sizes = [2048, 64], strides = [1, 1]} : vector<2048x512xf32> to vector<2048x64xf32>
    %slice3A_35 = vector.extract_strided_slice %get3A_32 {offsets = [0, 64], sizes = [2048, 64], strides = [1, 1]} : vector<2048x512xf32> to vector<2048x64xf32>
    %select_n3A_36 = arith.select %eq3A_34, %slice3A, %slice3A_35 : vector<2048x64xf32>
    %eq3A_37 = arith.constant 2 : i32
    %eq3A_38 = arith.cmpi eq, %select_n3A, %eq3A_37 : i32
    %slice3A_39 = vector.extract_strided_slice %get3A_32 {offsets = [0, 128], sizes = [2048, 64], strides = [1, 1]} : vector<2048x512xf32> to vector<2048x64xf32>
    %slice3A_40 = vector.extract_strided_slice %get3A_32 {offsets = [0, 192], sizes = [2048, 64], strides = [1, 1]} : vector<2048x512xf32> to vector<2048x64xf32>
    %select_n3A_41 = arith.select %eq3A_38, %slice3A_39, %slice3A_40 : vector<2048x64xf32>
    %select_n3A_42 = arith.select %lt3A_33, %select_n3A_36, %select_n3A_41 : vector<2048x64xf32>
    %lt3A_43 = arith.constant 2 : i32
    %lt3A_44 = arith.cmpi slt, %select_n3A, %lt3A_43 : i32
    %eq3A_45 = arith.constant 0 : i32
    %eq3A_46 = arith.cmpi eq, %select_n3A, %eq3A_45 : i32
    %slice3A_47 = vector.extract_strided_slice %get3A_32 {offsets = [0, 256], sizes = [2048, 64], strides = [1, 1]} : vector<2048x512xf32> to vector<2048x64xf32>
    %slice3A_48 = vector.extract_strided_slice %get3A_32 {offsets = [0, 320], sizes = [2048, 64], strides = [1, 1]} : vector<2048x512xf32> to vector<2048x64xf32>
    %select_n3A_49 = arith.select %eq3A_46, %slice3A_47, %slice3A_48 : vector<2048x64xf32>
    %eq3A_50 = arith.constant 2 : i32
    %eq3A_51 = arith.cmpi eq, %select_n3A, %eq3A_50 : i32
    %slice3A_52 = vector.extract_strided_slice %get3A_32 {offsets = [0, 384], sizes = [2048, 64], strides = [1, 1]} : vector<2048x512xf32> to vector<2048x64xf32>
    %slice3A_53 = vector.extract_strided_slice %get3A_32 {offsets = [0, 448], sizes = [2048, 64], strides = [1, 1]} : vector<2048x512xf32> to vector<2048x64xf32>
    %select_n3A_54 = arith.select %eq3A_51, %slice3A_52, %slice3A_53 : vector<2048x64xf32>
    %select_n3A_55 = arith.select %lt3A_44, %select_n3A_49, %select_n3A_54 : vector<2048x64xf32>
    %mul3A_56 = arith.mulf %select_n3A_42, %select_n3A_42 : vector<2048x64xf32>
    %reduce_sum3A = arith.constant dense<0.000000e+00> : vector<2048xf32>
    %reduce_sum3A_57 = vector.multi_reduction <add>, %mul3A_56, %reduce_sum3A [1] : vector<2048x64xf32> to vector<2048xf32>
    %broadcast_in_dim3A = vector.shape_cast %reduce_sum3A_57 : vector<2048xf32> to vector<2048x1xf32>
    %div3A_58 = arith.constant 6.400000e+01 : f32
    %div3A_59 = vector.broadcast %div3A_58 : f32 to vector<2048x1xf32>
    %div3A_60 = arith.divf %broadcast_in_dim3A, %div3A_59 : vector<2048x1xf32>
    %get3A_61 = arith.constant 0 : index
    %get3A_62 = arith.constant 0 : index
    %get3A_63 = vector.load %arg5[%get3A_61, %get3A_62] : memref<1x64xf32, #tpu.memory_space<vmem>>, vector<1x64xf32>
    %add3A = arith.constant 9.99999997E-7 : f32
    %add3A_64 = vector.broadcast %add3A : f32 to vector<2048x1xf32>
    %add3A_65 = arith.addf %div3A_60, %add3A_64 : vector<2048x1xf32>
    %rsqrt3A = math.rsqrt %add3A_65 : vector<2048x1xf32>
    %mul3A_66 = vector.broadcast %rsqrt3A : vector<2048x1xf32> to vector<2048x64xf32>
    %mul3A_67 = arith.mulf %select_n3A_42, %mul3A_66 : vector<2048x64xf32>
    %mul3A_68 = vector.broadcast %get3A_63 : vector<1x64xf32> to vector<2048x64xf32>
    %mul3A_69 = arith.mulf %mul3A_68, %mul3A_67 : vector<2048x64xf32>
    %slice3A_70 = vector.extract_strided_slice %mul3A_69 {offsets = [0, 0], sizes = [2048, 32], strides = [1, 1]} : vector<2048x64xf32> to vector<2048x32xf32>
    %slice3A_71 = vector.extract_strided_slice %mul3A_69 {offsets = [0, 32], sizes = [2048, 32], strides = [1, 1]} : vector<2048x64xf32> to vector<2048x32xf32>
    %mul3A_72 = arith.mulf %slice3A_70, %get3A_17 : vector<2048x32xf32>
    %mul3A_73 = arith.mulf %slice3A_71, %get3A_20 : vector<2048x32xf32>
    %sub3A_74 = arith.subf %mul3A_72, %mul3A_73 : vector<2048x32xf32>
    %mul3A_75 = arith.mulf %slice3A_71, %get3A_17 : vector<2048x32xf32>
    %mul3A_76 = arith.mulf %slice3A_70, %get3A_20 : vector<2048x32xf32>
    %add3A_77 = arith.addf %mul3A_75, %mul3A_76 : vector<2048x32xf32>
    %concatenate3A = tpu.concatenate %sub3A_74, %add3A_77 in 1 : vector<2048x32xf32>, vector<2048x32xf32> -> vector<2048x64xf32>
    %convert_element_type3A = arith.truncf %concatenate3A : vector<2048x64xf32> to vector<2048x64xbf16>
    %convert_element_type3A_78 = arith.truncf %select_n3A_55 : vector<2048x64xf32> to vector<2048x64xbf16>
    %get3A_79 = arith.constant 0 : index
    %get3A_80 = arith.constant 0 : index
    %get3A_81 = vector.load %arg6[%get3A_79, %get3A_80] : memref<512x128xf32, #tpu.memory_space<vmem>>, vector<512x128xf32>
    %slice3A_82 = vector.extract_strided_slice %get3A_81 {offsets = [0, 0], sizes = [512, 64], strides = [1, 1]} : vector<512x128xf32> to vector<512x64xf32>
    %mul3A_83 = arith.mulf %slice3A_82, %slice3A_82 : vector<512x64xf32>
    %reduce_sum3A_84 = arith.constant dense<0.000000e+00> : vector<512xf32>
    %reduce_sum3A_85 = vector.multi_reduction <add>, %mul3A_83, %reduce_sum3A_84 [1] : vector<512x64xf32> to vector<512xf32>
    %broadcast_in_dim3A_86 = vector.shape_cast %reduce_sum3A_85 : vector<512xf32> to vector<512x1xf32>
    %div3A_87 = arith.constant 6.400000e+01 : f32
    %div3A_88 = vector.broadcast %div3A_87 : f32 to vector<512x1xf32>
    %div3A_89 = arith.divf %broadcast_in_dim3A_86, %div3A_88 : vector<512x1xf32>
    %get3A_90 = arith.constant 0 : index
    %get3A_91 = arith.constant 0 : index
    %get3A_92 = vector.load %arg4[%get3A_90, %get3A_91] : memref<1x64xf32, #tpu.memory_space<vmem>>, vector<1x64xf32>
    %add3A_93 = arith.constant 9.99999997E-7 : f32
    %add3A_94 = vector.broadcast %add3A_93 : f32 to vector<512x1xf32>
    %add3A_95 = arith.addf %div3A_89, %add3A_94 : vector<512x1xf32>
    %rsqrt3A_96 = math.rsqrt %add3A_95 : vector<512x1xf32>
    %mul3A_97 = vector.broadcast %rsqrt3A_96 : vector<512x1xf32> to vector<512x64xf32>
    %mul3A_98 = arith.mulf %slice3A_82, %mul3A_97 : vector<512x64xf32>
    %mul3A_99 = vector.broadcast %get3A_92 : vector<1x64xf32> to vector<512x64xf32>
    %mul3A_100 = arith.mulf %mul3A_99, %mul3A_98 : vector<512x64xf32>
    %slice3A_101 = vector.extract_strided_slice %mul3A_100 {offsets = [0, 0], sizes = [512, 32], strides = [1, 1]} : vector<512x64xf32> to vector<512x32xf32>
    %slice3A_102 = vector.extract_strided_slice %mul3A_100 {offsets = [0, 32], sizes = [512, 32], strides = [1, 1]} : vector<512x64xf32> to vector<512x32xf32>
    %mul3A_103 = arith.mulf %slice3A_101, %get3A_24 : vector<512x32xf32>
    %mul3A_104 = arith.mulf %slice3A_102, %get3A_29 : vector<512x32xf32>
    %sub3A_105 = arith.subf %mul3A_103, %mul3A_104 : vector<512x32xf32>
    %mul3A_106 = arith.mulf %slice3A_102, %get3A_24 : vector<512x32xf32>
    %mul3A_107 = arith.mulf %slice3A_101, %get3A_29 : vector<512x32xf32>
    %add3A_108 = arith.addf %mul3A_106, %mul3A_107 : vector<512x32xf32>
    %concatenate3A_109 = tpu.concatenate %sub3A_105, %add3A_108 in 1 : vector<512x32xf32>, vector<512x32xf32> -> vector<512x64xf32>
    %convert_element_type3A_110 = arith.truncf %concatenate3A_109 : vector<512x64xf32> to vector<512x64xbf16>
    %dot_general3A = arith.constant dense<0.000000e+00> : vector<512x2048xf32>
    %dot_general3A_111 = tpu.matmul %convert_element_type3A_110, %convert_element_type3A, %dot_general3A {dimension_numbers = #tpu.dot_dimension_numbers<[1], [1], [0], [0], [0, 0, 1, 0], [], []>, transpose_lhs_hint = false} : vector<512x64xbf16>, vector<2048x64xbf16>, vector<512x2048xf32> -> vector<512x2048xf32>
    %mul3A_112 = arith.constant 1.250000e-01 : f32
    %mul3A_113 = vector.broadcast %mul3A_112 : f32 to vector<512x2048xf32>
    %mul3A_114 = arith.mulf %dot_general3A_111, %mul3A_113 : vector<512x2048xf32>
    %reduce_max3A = arith.constant dense<0xFF800000> : vector<512xf32>
    %reduce_max3A_115 = vector.multi_reduction <maximumf>, %mul3A_114, %reduce_max3A [1] : vector<512x2048xf32> to vector<512xf32>
    %broadcast_in_dim3A_116 = vector.shape_cast %reduce_max3A_115 : vector<512xf32> to vector<512x1xf32>
    %sub3A_117 = vector.broadcast %broadcast_in_dim3A_116 : vector<512x1xf32> to vector<512x2048xf32>
    %sub3A_118 = arith.subf %mul3A_114, %sub3A_117 : vector<512x2048xf32>
    %exp3A = math.exp %sub3A_118 : vector<512x2048xf32>
    %reduce_sum3A_119 = arith.constant dense<0.000000e+00> : vector<512xf32>
    %reduce_sum3A_120 = vector.multi_reduction <add>, %exp3A, %reduce_sum3A_119 [1] : vector<512x2048xf32> to vector<512xf32>
    %broadcast_in_dim3A_121 = vector.shape_cast %reduce_sum3A_120 : vector<512xf32> to vector<512x1xf32>
    %div3A_122 = vector.broadcast %broadcast_in_dim3A_121 : vector<512x1xf32> to vector<512x2048xf32>
    %div3A_123 = arith.divf %exp3A, %div3A_122 : vector<512x2048xf32>
    %convert_element_type3A_124 = arith.truncf %div3A_123 : vector<512x2048xf32> to vector<512x2048xbf16>
    %dot_general3A_125 = arith.constant dense<0.000000e+00> : vector<512x64xf32>
    %dot_general3A_126 = tpu.matmul %convert_element_type3A_124, %convert_element_type3A_78, %dot_general3A_125 {dimension_numbers = #tpu.dot_dimension_numbers<[1], [0], [0], [1], [0, 0, 1, 1], [], []>, transpose_lhs_hint = false} : vector<512x2048xbf16>, vector<2048x64xbf16>, vector<512x64xf32> -> vector<512x64xf32>
    %slice3A_127 = vector.extract_strided_slice %get3A_81 {offsets = [0, 64], sizes = [512, 64], strides = [1, 1]} : vector<512x128xf32> to vector<512x64xf32>
    %mul3A_128 = arith.mulf %slice3A_127, %slice3A_127 : vector<512x64xf32>
    %reduce_sum3A_129 = arith.constant dense<0.000000e+00> : vector<512xf32>
    %reduce_sum3A_130 = vector.multi_reduction <add>, %mul3A_128, %reduce_sum3A_129 [1] : vector<512x64xf32> to vector<512xf32>
    %broadcast_in_dim3A_131 = vector.shape_cast %reduce_sum3A_130 : vector<512xf32> to vector<512x1xf32>
    %div3A_132 = arith.constant 6.400000e+01 : f32
    %div3A_133 = vector.broadcast %div3A_132 : f32 to vector<512x1xf32>
    %div3A_134 = arith.divf %broadcast_in_dim3A_131, %div3A_133 : vector<512x1xf32>
    %get3A_135 = arith.constant 0 : index
    %get3A_136 = arith.constant 0 : index
    %get3A_137 = vector.load %arg4[%get3A_135, %get3A_136] : memref<1x64xf32, #tpu.memory_space<vmem>>, vector<1x64xf32>
    %add3A_138 = arith.constant 9.99999997E-7 : f32
    %add3A_139 = vector.broadcast %add3A_138 : f32 to vector<512x1xf32>
    %add3A_140 = arith.addf %div3A_134, %add3A_139 : vector<512x1xf32>
    %rsqrt3A_141 = math.rsqrt %add3A_140 : vector<512x1xf32>
    %mul3A_142 = vector.broadcast %rsqrt3A_141 : vector<512x1xf32> to vector<512x64xf32>
    %mul3A_143 = arith.mulf %slice3A_127, %mul3A_142 : vector<512x64xf32>
    %mul3A_144 = vector.broadcast %get3A_137 : vector<1x64xf32> to vector<512x64xf32>
    %mul3A_145 = arith.mulf %mul3A_144, %mul3A_143 : vector<512x64xf32>
    %slice3A_146 = vector.extract_strided_slice %mul3A_145 {offsets = [0, 0], sizes = [512, 32], strides = [1, 1]} : vector<512x64xf32> to vector<512x32xf32>
    %slice3A_147 = vector.extract_strided_slice %mul3A_145 {offsets = [0, 32], sizes = [512, 32], strides = [1, 1]} : vector<512x64xf32> to vector<512x32xf32>
    %mul3A_148 = arith.mulf %slice3A_146, %get3A_24 : vector<512x32xf32>
    %mul3A_149 = arith.mulf %slice3A_147, %get3A_29 : vector<512x32xf32>
    %sub3A_150 = arith.subf %mul3A_148, %mul3A_149 : vector<512x32xf32>
    %mul3A_151 = arith.mulf %slice3A_147, %get3A_24 : vector<512x32xf32>
    %mul3A_152 = arith.mulf %slice3A_146, %get3A_29 : vector<512x32xf32>
    %add3A_153 = arith.addf %mul3A_151, %mul3A_152 : vector<512x32xf32>
    %concatenate3A_154 = tpu.concatenate %sub3A_150, %add3A_153 in 1 : vector<512x32xf32>, vector<512x32xf32> -> vector<512x64xf32>
    %convert_element_type3A_155 = arith.truncf %concatenate3A_154 : vector<512x64xf32> to vector<512x64xbf16>
    %dot_general3A_156 = arith.constant dense<0.000000e+00> : vector<512x2048xf32>
    %dot_general3A_157 = tpu.matmul %convert_element_type3A_155, %convert_element_type3A, %dot_general3A_156 {dimension_numbers = #tpu.dot_dimension_numbers<[1], [1], [0], [0], [0, 0, 1, 0], [], []>, transpose_lhs_hint = false} : vector<512x64xbf16>, vector<2048x64xbf16>, vector<512x2048xf32> -> vector<512x2048xf32>
    %mul3A_158 = arith.constant 1.250000e-01 : f32
    %mul3A_159 = vector.broadcast %mul3A_158 : f32 to vector<512x2048xf32>
    %mul3A_160 = arith.mulf %dot_general3A_157, %mul3A_159 : vector<512x2048xf32>
    %reduce_max3A_161 = arith.constant dense<0xFF800000> : vector<512xf32>
    %reduce_max3A_162 = vector.multi_reduction <maximumf>, %mul3A_160, %reduce_max3A_161 [1] : vector<512x2048xf32> to vector<512xf32>
    %broadcast_in_dim3A_163 = vector.shape_cast %reduce_max3A_162 : vector<512xf32> to vector<512x1xf32>
    %sub3A_164 = vector.broadcast %broadcast_in_dim3A_163 : vector<512x1xf32> to vector<512x2048xf32>
    %sub3A_165 = arith.subf %mul3A_160, %sub3A_164 : vector<512x2048xf32>
    %exp3A_166 = math.exp %sub3A_165 : vector<512x2048xf32>
    %reduce_sum3A_167 = arith.constant dense<0.000000e+00> : vector<512xf32>
    %reduce_sum3A_168 = vector.multi_reduction <add>, %exp3A_166, %reduce_sum3A_167 [1] : vector<512x2048xf32> to vector<512xf32>
    %broadcast_in_dim3A_169 = vector.shape_cast %reduce_sum3A_168 : vector<512xf32> to vector<512x1xf32>
    %div3A_170 = vector.broadcast %broadcast_in_dim3A_169 : vector<512x1xf32> to vector<512x2048xf32>
    %div3A_171 = arith.divf %exp3A_166, %div3A_170 : vector<512x2048xf32>
    %convert_element_type3A_172 = arith.truncf %div3A_171 : vector<512x2048xf32> to vector<512x2048xbf16>
    %dot_general3A_173 = arith.constant dense<0.000000e+00> : vector<512x64xf32>
    %dot_general3A_174 = tpu.matmul %convert_element_type3A_172, %convert_element_type3A_78, %dot_general3A_173 {dimension_numbers = #tpu.dot_dimension_numbers<[1], [0], [0], [1], [0, 0, 1, 1], [], []>, transpose_lhs_hint = false} : vector<512x2048xbf16>, vector<2048x64xbf16>, vector<512x64xf32> -> vector<512x64xf32>
    %concatenate3A_175 = tpu.concatenate %dot_general3A_126, %dot_general3A_174 in 1 : vector<512x64xf32>, vector<512x64xf32> -> vector<512x128xf32>
    %swap3A = arith.constant 0 : index
    %swap3A_176 = arith.constant 0 : index
    %swap3A_177 = vector.load %arg8[%swap3A, %swap3A_176] : memref<512x128xf32, #tpu.memory_space<vmem>>, vector<512x128xf32>
    tpu.vector_store %arg8[%swap3A, %swap3A_176], %concatenate3A_175 {strides = array<i32>} : memref<512x128xf32, #tpu.memory_space<vmem>>, vector<512x128xf32>,
    return
  }
  func.func @transform_0(%arg0: i32, %arg1: i32) -> (i32, i32) {
    %c0_i32 = arith.constant 0 : i32
    %c0_i32_0 = arith.constant 0 : i32
    %c0_i32_1 = arith.constant 0 : i32
    return %c0_i32, %c0_i32_0 : i32, i32
  }
  func.func @transform_1(%arg0: i32, %arg1: i32) -> (i32, i32) {
    %c0_i32 = arith.constant 0 : i32
    %c0_i32_0 = arith.constant 0 : i32
    %c0_i32_1 = arith.constant 0 : i32
    return %c0_i32, %c0_i32_0 : i32, i32
  }
  func.func @transform_2(%arg0: i32, %arg1: i32) -> (i32, i32) {
    %c0_i32 = arith.constant 0 : i32
    %c0_i32_0 = arith.constant 0 : i32
    %c0_i32_1 = arith.constant 0 : i32
    return %c0_i32, %c0_i32_0 : i32, i32
  }
  func.func @transform_3(%arg0: i32, %arg1: i32) -> (i32, i32) {
    %c0_i32 = arith.constant 0 : i32
    %c0_i32_0 = arith.constant 0 : i32
    %c0_i32_1 = arith.constant 0 : i32
    return %c0_i32, %c0_i32_0 : i32, i32
  }
  func.func @transform_4(%arg0: i32, %arg1: i32) -> (i32, i32) {
    %c0_i32 = arith.constant 0 : i32
    return %arg0, %arg1 : i32, i32
  }
  func.func @transform_5(%arg0: i32, %arg1: i32) -> (i32, i32) {
    %c0_i32 = arith.constant 0 : i32
    %c2_i32 = arith.constant 2 : i32
    %c0_i32_0 = arith.constant 0 : i32
    return %c0_i32, %c2_i32 : i32, i32
  }
  func.func @transform_6(%arg0: i32, %arg1: i32) -> (i32, i32) {
    %c0_i32 = arith.constant 0 : i32
    return %arg0, %arg1 : i32, i32
  }
}

module attributes {stable_mosaic.version = 14 : i64} {
  func.func @_stage3_kernel(%arg0: i32, %arg1: memref<256x1024xf32, #tpu.memory_space<vmem>>, %arg2: memref<256x1024xf32, #tpu.memory_space<vmem>>, %arg3: memref<1024x1024xbf16, #tpu.memory_space<vmem>>, %arg4: memref<1x1024xf32, #tpu.memory_space<vmem>>, %arg5: memref<8x1024xf32, #tpu.memory_space<vmem>>, %arg6: memref<256x1024xf32, #tpu.memory_space<vmem>>, %arg7: memref<256x1024xbf16, #tpu.memory_space<vmem>>, %arg8: memref<256x8xf32, #tpu.memory_space<vmem>>, %arg9: memref<1x8xf32, #tpu.memory_space<vmem>>) attributes {dimension_semantics = [#tpu.dimension_semantics<arbitrary>], iteration_bounds = array<i64: 8>, scalar_prefetch = 0 : i64, scratch_operands = 0 : i64, tpu.core_type = #tpu.core_type<tc>, window_params = [{transform_indices = @transform_0, window_bounds = array<i64: 256, 1024>}, {transform_indices = @transform_1, window_bounds = array<i64: 256, 1024>}, {pipeline_mode = #tpu.pipeline_mode<synchronous>, transform_indices = @transform_2, window_bounds = array<i64: 1024, 1024>}, {pipeline_mode = #tpu.pipeline_mode<synchronous>, transform_indices = @transform_3, window_bounds = array<i64: 1, 1024>}, {pipeline_mode = #tpu.pipeline_mode<synchronous>, transform_indices = @transform_4, window_bounds = array<i64: 8, 1024>}, {transform_indices = @transform_5, window_bounds = array<i64: 256, 1024>}, {transform_indices = @transform_6, window_bounds = array<i64: 256, 1024>}, {transform_indices = @transform_7, window_bounds = array<i64: 256, 8>}, {pipeline_mode = #tpu.pipeline_mode<synchronous>, transform_indices = @transform_8, window_bounds = array<i64: 1, 8>}]} {
    %get3A = arith.constant 0 : index
    %get3A_0 = arith.constant 0 : index
    %get3A_1 = vector.load %arg2[%get3A, %get3A_0] : memref<256x1024xf32, #tpu.memory_space<vmem>>, vector<256x1024xf32>
    %convert_element_type3A = arith.truncf %get3A_1 : vector<256x1024xf32> to vector<256x1024xbf16>
    %get3A_2 = arith.constant 0 : index
    %get3A_3 = arith.constant 0 : index
    %get3A_4 = vector.load %arg3[%get3A_2, %get3A_3] : memref<1024x1024xbf16, #tpu.memory_space<vmem>>, vector<1024x1024xbf16>
    %dot_general3A = arith.constant dense<0.000000e+00> : vector<256x1024xf32>
    %dot_general3A_5 = tpu.matmul %convert_element_type3A, %get3A_4, %dot_general3A {dimension_numbers = #tpu.dot_dimension_numbers<[1], [1], [0], [0], [0, 0, 1, 0], [], []>, transpose_lhs_hint = false} : vector<256x1024xbf16>, vector<1024x1024xbf16>, vector<256x1024xf32> -> vector<256x1024xf32>
    %get3A_6 = arith.constant 0 : index
    %get3A_7 = arith.constant 0 : index
    %get3A_8 = vector.load %arg1[%get3A_6, %get3A_7] : memref<256x1024xf32, #tpu.memory_space<vmem>>, vector<256x1024xf32>
    %add3A = arith.addf %get3A_8, %dot_general3A_5 : vector<256x1024xf32>
    %swap3A = arith.constant 0 : index
    %swap3A_9 = arith.constant 0 : index
    %swap3A_10 = vector.load %arg6[%swap3A, %swap3A_9] : memref<256x1024xf32, #tpu.memory_space<vmem>>, vector<256x1024xf32>
    tpu.vector_store %arg6[%swap3A, %swap3A_9], %add3A {strides = array<i32>} : memref<256x1024xf32, #tpu.memory_space<vmem>>, vector<256x1024xf32>,
    %mul3A = arith.mulf %add3A, %add3A : vector<256x1024xf32>
    %reduce_sum3A = arith.constant dense<0.000000e+00> : vector<256xf32>
    %reduce_sum3A_11 = vector.multi_reduction <add>, %mul3A, %reduce_sum3A [1] : vector<256x1024xf32> to vector<256xf32>
    %broadcast_in_dim3A = vector.shape_cast %reduce_sum3A_11 : vector<256xf32> to vector<256x1xf32>
    %div3A = arith.constant 1.024000e+03 : f32
    %div3A_12 = vector.broadcast %div3A : f32 to vector<256x1xf32>
    %div3A_13 = arith.divf %broadcast_in_dim3A, %div3A_12 : vector<256x1xf32>
    %get3A_14 = arith.constant 0 : index
    %get3A_15 = arith.constant 0 : index
    %get3A_16 = vector.load %arg4[%get3A_14, %get3A_15] : memref<1x1024xf32, #tpu.memory_space<vmem>>, vector<1x1024xf32>
    %add3A_17 = arith.constant 9.99999997E-7 : f32
    %add3A_18 = vector.broadcast %add3A_17 : f32 to vector<256x1xf32>
    %add3A_19 = arith.addf %div3A_13, %add3A_18 : vector<256x1xf32>
    %rsqrt3A = math.rsqrt %add3A_19 : vector<256x1xf32>
    %mul3A_20 = vector.broadcast %rsqrt3A : vector<256x1xf32> to vector<256x1024xf32>
    %mul3A_21 = arith.mulf %add3A, %mul3A_20 : vector<256x1024xf32>
    %mul3A_22 = vector.broadcast %get3A_16 : vector<1x1024xf32> to vector<256x1024xf32>
    %mul3A_23 = arith.mulf %mul3A_22, %mul3A_21 : vector<256x1024xf32>
    %convert_element_type3A_24 = arith.truncf %mul3A_23 : vector<256x1024xf32> to vector<256x1024xbf16>
    %swap3A_25 = arith.constant 0 : index
    %swap3A_26 = arith.constant 0 : index
    %swap3A_27 = vector.load %arg7[%swap3A_25, %swap3A_26] : memref<256x1024xbf16, #tpu.memory_space<vmem>>, vector<256x1024xbf16>
    tpu.vector_store %arg7[%swap3A_25, %swap3A_26], %convert_element_type3A_24 {strides = array<i32>} : memref<256x1024xbf16, #tpu.memory_space<vmem>>, vector<256x1024xbf16>,
    %get3A_28 = arith.constant 0 : index
    %get3A_29 = arith.constant 0 : index
    %get3A_30 = vector.load %arg5[%get3A_28, %get3A_29] : memref<8x1024xf32, #tpu.memory_space<vmem>>, vector<8x1024xf32>
    %dot_general3A_31 = arith.constant dense<0.000000e+00> : vector<256x8xf32>
    %dot_general3A_32 = tpu.matmul %mul3A_23, %get3A_30, %dot_general3A_31 {dimension_numbers = #tpu.dot_dimension_numbers<[1], [1], [0], [0], [0, 0, 1, 0], [], []>, transpose_lhs_hint = false} : vector<256x1024xf32>, vector<8x1024xf32>, vector<256x8xf32> -> vector<256x8xf32>
    %reduce_max3A = arith.constant dense<0xFF800000> : vector<256xf32>
    %reduce_max3A_33 = vector.multi_reduction <maximumf>, %dot_general3A_32, %reduce_max3A [1] : vector<256x8xf32> to vector<256xf32>
    %broadcast_in_dim3A_34 = vector.shape_cast %reduce_max3A_33 : vector<256xf32> to vector<256x1xf32>
    %sub3A = vector.broadcast %broadcast_in_dim3A_34 : vector<256x1xf32> to vector<256x8xf32>
    %sub3A_35 = arith.subf %dot_general3A_32, %sub3A : vector<256x8xf32>
    %exp3A = math.exp %sub3A_35 : vector<256x8xf32>
    %reduce_sum3A_36 = arith.constant dense<0.000000e+00> : vector<256xf32>
    %reduce_sum3A_37 = vector.multi_reduction <add>, %exp3A, %reduce_sum3A_36 [1] : vector<256x8xf32> to vector<256xf32>
    %broadcast_in_dim3A_38 = vector.shape_cast %reduce_sum3A_37 : vector<256xf32> to vector<256x1xf32>
    %div3A_39 = vector.broadcast %broadcast_in_dim3A_38 : vector<256x1xf32> to vector<256x8xf32>
    %div3A_40 = arith.divf %exp3A, %div3A_39 : vector<256x8xf32>
    %iota3A = tpu.iota {dimensions = array<i32: 1>} : vector<256x8xi32>
    %reduce_max3A_41 = arith.constant dense<0xFF800000> : vector<256xf32>
    %reduce_max3A_42 = vector.multi_reduction <maximumf>, %div3A_40, %reduce_max3A_41 [1] : vector<256x8xf32> to vector<256xf32>
    %broadcast_in_dim3A_43 = vector.shape_cast %reduce_max3A_42 : vector<256xf32> to vector<256x1xf32>
    %eq3A = vector.broadcast %broadcast_in_dim3A_43 : vector<256x1xf32> to vector<256x8xf32>
    %eq3A_44 = arith.cmpf oeq, %div3A_40, %eq3A : vector<256x8xf32>
    %jit3A = arith.constant 8 : i32
    %broadcast_in_dim3A_45 = vector.broadcast %jit3A : i32 to vector<256x8xi32>
    %select_n3A = arith.select %eq3A_44, %iota3A, %broadcast_in_dim3A_45 : vector<256x8xi1>, vector<256x8xi32>
    %reduce_min3A = arith.constant dense<2147483647> : vector<256xi32>
    %reduce_min3A_46 = vector.multi_reduction <minsi>, %select_n3A, %reduce_min3A [1] : vector<256x8xi32> to vector<256xi32>
    %broadcast_in_dim3A_47 = vector.shape_cast %reduce_min3A_46 : vector<256xi32> to vector<256x1xi32>
    %eq3A_48 = vector.broadcast %broadcast_in_dim3A_47 : vector<256x1xi32> to vector<256x8xi32>
    %eq3A_49 = arith.cmpi eq, %iota3A, %eq3A_48 : vector<256x8xi32>
    %jit3A_50 = arith.constant -1.000000e+00 : f32
    %broadcast_in_dim3A_51 = vector.broadcast %jit3A_50 : f32 to vector<256x8xf32>
    %select_n3A_52 = arith.select %eq3A_49, %broadcast_in_dim3A_51, %div3A_40 : vector<256x8xi1>, vector<256x8xf32>
    %reduce_max3A_53 = arith.constant dense<0xFF800000> : vector<256xf32>
    %reduce_max3A_54 = vector.multi_reduction <maximumf>, %select_n3A_52, %reduce_max3A_53 [1] : vector<256x8xf32> to vector<256xf32>
    %broadcast_in_dim3A_55 = vector.shape_cast %reduce_max3A_54 : vector<256xf32> to vector<256x1xf32>
    %eq3A_56 = vector.broadcast %broadcast_in_dim3A_55 : vector<256x1xf32> to vector<256x8xf32>
    %eq3A_57 = arith.cmpf oeq, %select_n3A_52, %eq3A_56 : vector<256x8xf32>
    %jit3A_58 = arith.constant 8 : i32
    %broadcast_in_dim3A_59 = vector.broadcast %jit3A_58 : i32 to vector<256x8xi32>
    %select_n3A_60 = arith.select %eq3A_57, %iota3A, %broadcast_in_dim3A_59 : vector<256x8xi1>, vector<256x8xi32>
    %reduce_min3A_61 = arith.constant dense<2147483647> : vector<256xi32>
    %reduce_min3A_62 = vector.multi_reduction <minsi>, %select_n3A_60, %reduce_min3A_61 [1] : vector<256x8xi32> to vector<256xi32>
    %broadcast_in_dim3A_63 = vector.shape_cast %reduce_min3A_62 : vector<256xi32> to vector<256x1xi32>
    %eq3A_64 = vector.broadcast %broadcast_in_dim3A_47 : vector<256x1xi32> to vector<256x8xi32>
    %eq3A_65 = arith.cmpi eq, %iota3A, %eq3A_64 : vector<256x8xi32>
    %jit3A_66 = arith.constant 0.000000e+00 : f32
    %broadcast_in_dim3A_67 = vector.shape_cast %broadcast_in_dim3A_43 : vector<256x1xf32> to vector<256x1xf32>
    %broadcast_in_dim3A_68 = vector.broadcast %broadcast_in_dim3A_67 : vector<256x1xf32> to vector<256x8xf32>
    %broadcast_in_dim3A_69 = vector.broadcast %jit3A_66 : f32 to vector<256x8xf32>
    %select_n3A_70 = arith.select %eq3A_65, %broadcast_in_dim3A_68, %broadcast_in_dim3A_69 : vector<256x8xi1>, vector<256x8xf32>
    %eq3A_71 = vector.broadcast %broadcast_in_dim3A_63 : vector<256x1xi32> to vector<256x8xi32>
    %eq3A_72 = arith.cmpi eq, %iota3A, %eq3A_71 : vector<256x8xi32>
    %jit3A_73 = arith.constant 0.000000e+00 : f32
    %broadcast_in_dim3A_74 = vector.shape_cast %broadcast_in_dim3A_55 : vector<256x1xf32> to vector<256x1xf32>
    %broadcast_in_dim3A_75 = vector.broadcast %broadcast_in_dim3A_74 : vector<256x1xf32> to vector<256x8xf32>
    %broadcast_in_dim3A_76 = vector.broadcast %jit3A_73 : f32 to vector<256x8xf32>
    %select_n3A_77 = arith.select %eq3A_72, %broadcast_in_dim3A_75, %broadcast_in_dim3A_76 : vector<256x8xi1>, vector<256x8xf32>
    %add3A_78 = arith.addf %select_n3A_70, %select_n3A_77 : vector<256x8xf32>
    %add3A_79 = arith.addf %broadcast_in_dim3A_43, %broadcast_in_dim3A_55 : vector<256x1xf32>
    %div3A_80 = vector.broadcast %add3A_79 : vector<256x1xf32> to vector<256x8xf32>
    %div3A_81 = arith.divf %add3A_78, %div3A_80 : vector<256x8xf32>
    %swap3A_82 = arith.constant 0 : index
    %swap3A_83 = arith.constant 0 : index
    %swap3A_84 = vector.load %arg8[%swap3A_82, %swap3A_83] : memref<256x8xf32, #tpu.memory_space<vmem>>, vector<256x8xf32>
    tpu.vector_store %arg8[%swap3A_82, %swap3A_83], %div3A_81 {strides = array<i32>} : memref<256x8xf32, #tpu.memory_space<vmem>>, vector<256x8xf32>,
    %gt3A = arith.constant 0.000000e+00 : f32
    %gt3A_85 = vector.broadcast %gt3A : f32 to vector<256x8xf32>
    %gt3A_86 = arith.cmpf ogt, %div3A_81, %gt3A_85 : vector<256x8xf32>
    %convert_element_type3A_87 = arith.extui %gt3A_86 : vector<256x8xi1> to vector<256x8xi32>
    %convert_element_type3A_88 = arith.sitofp %convert_element_type3A_87 : vector<256x8xi32> to vector<256x8xf32>
    %reduce_sum3A_89 = arith.constant dense<0.000000e+00> : vector<8xf32>
    %reduce_sum3A_90 = vector.multi_reduction <add>, %convert_element_type3A_88, %reduce_sum3A_89 [0] : vector<256x8xf32> to vector<8xf32>
    %broadcast_in_dim3A_91 = vector.shape_cast %reduce_sum3A_90 : vector<8xf32> to vector<1x8xf32>
    %eq3A_92 = arith.constant 0 : i32
    %eq3A_93 = arith.cmpi eq, %arg0, %eq3A_92 : i32
    %convert_element_type3A_94 = arith.extui %eq3A_93 : i1 to i32
    %cond3A = arith.constant 0 : i32
    %cond3A_95 = arith.cmpi ne, %convert_element_type3A_94, %cond3A : i32
    scf.if %cond3A_95 {
      %broadcast_in_dim3A_103 = arith.constant 0.000000e+00 : f32
      %broadcast_in_dim3A_104 = vector.broadcast %broadcast_in_dim3A_103 : f32 to vector<1x8xf32>
      %swap3A_105 = arith.constant 0 : index
      %swap3A_106 = arith.constant 0 : index
      %swap3A_107 = vector.load %arg9[%swap3A_105, %swap3A_106] : memref<1x8xf32, #tpu.memory_space<vmem>>, vector<1x8xf32>
      tpu.vector_store %arg9[%swap3A_105, %swap3A_106], %broadcast_in_dim3A_104 {strides = array<i32>} : memref<1x8xf32, #tpu.memory_space<vmem>>, vector<1x8xf32>,
    } else {
    }
    %get3A_96 = arith.constant 0 : index
    %get3A_97 = arith.constant 0 : index
    %get3A_98 = vector.load %arg9[%get3A_96, %get3A_97] : memref<1x8xf32, #tpu.memory_space<vmem>>, vector<1x8xf32>
    %add3A_99 = arith.addf %get3A_98, %broadcast_in_dim3A_91 : vector<1x8xf32>
    %swap3A_100 = arith.constant 0 : index
    %swap3A_101 = arith.constant 0 : index
    %swap3A_102 = vector.load %arg9[%swap3A_100, %swap3A_101] : memref<1x8xf32, #tpu.memory_space<vmem>>, vector<1x8xf32>
    tpu.vector_store %arg9[%swap3A_100, %swap3A_101], %add3A_99 {strides = array<i32>} : memref<1x8xf32, #tpu.memory_space<vmem>>, vector<1x8xf32>,
    return
  }
  func.func @transform_0(%arg0: i32) -> (i32, i32) {
    %c0_i32 = arith.constant 0 : i32
    %c0_i32_0 = arith.constant 0 : i32
    return %arg0, %c0_i32 : i32, i32
  }
  func.func @transform_1(%arg0: i32) -> (i32, i32) {
    %c0_i32 = arith.constant 0 : i32
    %c0_i32_0 = arith.constant 0 : i32
    return %arg0, %c0_i32 : i32, i32
  }
  func.func @transform_2(%arg0: i32) -> (i32, i32) {
    %c0_i32 = arith.constant 0 : i32
    %c0_i32_0 = arith.constant 0 : i32
    %c0_i32_1 = arith.constant 0 : i32
    return %c0_i32, %c0_i32_0 : i32, i32
  }
  func.func @transform_3(%arg0: i32) -> (i32, i32) {
    %c0_i32 = arith.constant 0 : i32
    %c0_i32_0 = arith.constant 0 : i32
    %c0_i32_1 = arith.constant 0 : i32
    return %c0_i32, %c0_i32_0 : i32, i32
  }
  func.func @transform_4(%arg0: i32) -> (i32, i32) {
    %c0_i32 = arith.constant 0 : i32
    %c0_i32_0 = arith.constant 0 : i32
    %c0_i32_1 = arith.constant 0 : i32
    return %c0_i32, %c0_i32_0 : i32, i32
  }
  func.func @transform_5(%arg0: i32) -> (i32, i32) {
    %c0_i32 = arith.constant 0 : i32
    %c0_i32_0 = arith.constant 0 : i32
    return %arg0, %c0_i32 : i32, i32
  }
  func.func @transform_6(%arg0: i32) -> (i32, i32) {
    %c0_i32 = arith.constant 0 : i32
    %c0_i32_0 = arith.constant 0 : i32
    return %arg0, %c0_i32 : i32, i32
  }
  func.func @transform_7(%arg0: i32) -> (i32, i32) {
    %c0_i32 = arith.constant 0 : i32
    %c0_i32_0 = arith.constant 0 : i32
    return %arg0, %c0_i32 : i32, i32
  }
  func.func @transform_8(%arg0: i32) -> (i32, i32) {
    %c0_i32 = arith.constant 0 : i32
    %c0_i32_0 = arith.constant 0 : i32
    %c0_i32_1 = arith.constant 0 : i32
    return %c0_i32, %c0_i32_0 : i32, i32
  }
}

module attributes {stable_mosaic.version = 14 : i64} {
  func.func @_meta_kernel(%arg0: i32, %arg1: memref<1x8xf32, #tpu.memory_space<vmem>>, %arg2: memref<256x8xf32, #tpu.memory_space<vmem>>, %arg3: memref<256x1xi32, #tpu.memory_space<vmem>>, %arg4: memref<256x1xi32, #tpu.memory_space<vmem>>, %arg5: memref<256x1xf32, #tpu.memory_space<vmem>>, %arg6: memref<256x1xf32, #tpu.memory_space<vmem>>, %arg7: memref<40x1xi32, #tpu.memory_space<vmem>>, %arg8: memref<1x8xf32, #tpu.memory_space<vmem>>, %arg9: memref<1x8xf32, #tpu.memory_space<vmem>>) attributes {dimension_semantics = [#tpu.dimension_semantics<arbitrary>], iteration_bounds = array<i64: 9>, scalar_prefetch = 0 : i64, scratch_operands = 2 : i64, tpu.core_type = #tpu.core_type<tc>, window_params = [{pipeline_mode = #tpu.pipeline_mode<synchronous>, transform_indices = @transform_0, window_bounds = array<i64: 1, 8>}, {transform_indices = @transform_1, window_bounds = array<i64: 256, 8>}, {transform_indices = @transform_2, window_bounds = array<i64: 256, 1>}, {transform_indices = @transform_3, window_bounds = array<i64: 256, 1>}, {transform_indices = @transform_4, window_bounds = array<i64: 256, 1>}, {transform_indices = @transform_5, window_bounds = array<i64: 256, 1>}, {pipeline_mode = #tpu.pipeline_mode<synchronous>, transform_indices = @transform_6, window_bounds = array<i64: 40, 1>}]} {
    %eq3A = arith.constant 0 : i32
    %eq3A_0 = arith.cmpi eq, %arg0, %eq3A : i32
    %convert_element_type3A = arith.extui %eq3A_0 : i1 to i32
    %cond3A = arith.constant 0 : i32
    %cond3A_1 = arith.cmpi ne, %convert_element_type3A, %cond3A : i32
    scf.if %cond3A_1 {
      %get3A = arith.constant 0 : index
      %get3A_6 = arith.constant 0 : index
      %get3A_7 = vector.load %arg1[%get3A, %get3A_6] : memref<1x8xf32, #tpu.memory_space<vmem>>, vector<1x8xf32>
      %mul3A = arith.constant 7.812500e-03 : f32
      %mul3A_8 = vector.broadcast %mul3A : f32 to vector<1x8xf32>
      %mul3A_9 = arith.mulf %get3A_7, %mul3A_8 : vector<1x8xf32>
      %ceil3A = math.ceil %mul3A_9 : vector<1x8xf32>
      %mul3A_10 = arith.constant 1.280000e+02 : f32
      %mul3A_11 = vector.broadcast %mul3A_10 : f32 to vector<1x8xf32>
      %mul3A_12 = arith.mulf %ceil3A, %mul3A_11 : vector<1x8xf32>
      %iota3A = tpu.iota {dimensions = array<i32: 0>} : vector<8x8xi32>
      %iota3A_13 = tpu.iota {dimensions = array<i32: 1>} : vector<8x8xi32>
      %lt3A = arith.cmpi slt, %iota3A, %iota3A_13 : vector<8x8xi32>
      %convert_element_type3A_14 = arith.extui %lt3A : vector<8x8xi1> to vector<8x8xi32>
      %convert_element_type3A_15 = arith.sitofp %convert_element_type3A_14 : vector<8x8xi32> to vector<8x8xf32>
      %convert_element_type3A_16 = arith.truncf %convert_element_type3A_15 : vector<8x8xf32> to vector<8x8xbf16>
      %convert_element_type3A_17 = arith.truncf %mul3A_12 : vector<1x8xf32> to vector<1x8xbf16>
      %dot_general3A = arith.constant dense<0.000000e+00> : vector<1x8xf32>
      %dot_general3A_18 = tpu.matmul %convert_element_type3A_17, %convert_element_type3A_16, %dot_general3A {dimension_numbers = #tpu.dot_dimension_numbers<[1], [0], [0], [1], [0, 0, 1, 1], [], []>, transpose_lhs_hint = false} : vector<1x8xbf16>, vector<8x8xbf16>, vector<1x8xf32> -> vector<1x8xf32>
      %swap3A = arith.constant 0 : index
      %swap3A_19 = arith.constant 0 : index
      %swap3A_20 = vector.load %arg8[%swap3A, %swap3A_19] : memref<1x8xf32, #tpu.memory_space<vmem>>, vector<1x8xf32>
      tpu.vector_store %arg8[%swap3A, %swap3A_19], %dot_general3A_18 {strides = array<i32>} : memref<1x8xf32, #tpu.memory_space<vmem>>, vector<1x8xf32>,
      %broadcast_in_dim3A = arith.constant 0.000000e+00 : f32
      %broadcast_in_dim3A_21 = vector.broadcast %broadcast_in_dim3A : f32 to vector<1x8xf32>
      %swap3A_22 = arith.constant 0 : index
      %swap3A_23 = arith.constant 0 : index
      %swap3A_24 = vector.load %arg9[%swap3A_22, %swap3A_23] : memref<1x8xf32, #tpu.memory_space<vmem>>, vector<1x8xf32>
      tpu.vector_store %arg9[%swap3A_22, %swap3A_23], %broadcast_in_dim3A_21 {strides = array<i32>} : memref<1x8xf32, #tpu.memory_space<vmem>>, vector<1x8xf32>,
      %iota3A_25 = tpu.iota {dimensions = array<i32: 0>} : vector<40x8xi32>
      %convert_element_type3A_26 = arith.sitofp %iota3A_25 : vector<40x8xi32> to vector<40x8xf32>
      %mul3A_27 = arith.constant 1.280000e+02 : f32
      %mul3A_28 = vector.broadcast %mul3A_27 : f32 to vector<40x8xf32>
      %mul3A_29 = arith.mulf %convert_element_type3A_26, %mul3A_28 : vector<40x8xf32>
      %le3A = vector.broadcast %dot_general3A_18 : vector<1x8xf32> to vector<40x8xf32>
      %le3A_30 = arith.cmpf ole, %le3A, %mul3A_29 : vector<40x8xf32>
      %convert_element_type3A_31 = arith.extui %le3A_30 : vector<40x8xi1> to vector<40x8xi32>
      %convert_element_type3A_32 = arith.sitofp %convert_element_type3A_31 : vector<40x8xi32> to vector<40x8xf32>
      %reduce_sum3A = arith.constant dense<0.000000e+00> : vector<40xf32>
      %reduce_sum3A_33 = vector.multi_reduction <add>, %convert_element_type3A_32, %reduce_sum3A [1] : vector<40x8xf32> to vector<40xf32>
      %broadcast_in_dim3A_34 = vector.shape_cast %reduce_sum3A_33 : vector<40xf32> to vector<40x1xf32>
      %sub3A = arith.constant 1.000000e+00 : f32
      %sub3A_35 = vector.broadcast %sub3A : f32 to vector<40x1xf32>
      %sub3A_36 = arith.subf %broadcast_in_dim3A_34, %sub3A_35 : vector<40x1xf32>
      %convert_element_type3A_37 = arith.fptosi %sub3A_36 : vector<40x1xf32> to vector<40x1xi32>
      %swap3A_38 = arith.constant 0 : index
      %swap3A_39 = arith.constant 0 : index
      %swap3A_40 = vector.load %arg7[%swap3A_38, %swap3A_39] : memref<40x1xi32, #tpu.memory_space<vmem>>, vector<40x1xi32>
      tpu.vector_store %arg7[%swap3A_38, %swap3A_39], %convert_element_type3A_37 {strides = array<i32>} : memref<40x1xi32, #tpu.memory_space<vmem>>, vector<40x1xi32>,
    } else {
    }
    %gt3A = arith.constant 0 : i32
    %gt3A_2 = arith.cmpi sgt, %arg0, %gt3A : i32
    %convert_element_type3A_3 = arith.extui %gt3A_2 : i1 to i32
    %cond3A_4 = arith.constant 0 : i32
    %cond3A_5 = arith.cmpi ne, %convert_element_type3A_3, %cond3A_4 : i32
    scf.if %cond3A_5 {
      %get3A = arith.constant 0 : index
      %get3A_6 = arith.constant 0 : index
      %get3A_7 = vector.load %arg2[%get3A, %get3A_6] : memref<256x8xf32, #tpu.memory_space<vmem>>, vector<256x8xf32>
      %gt3A_8 = arith.constant 0.000000e+00 : f32
      %gt3A_9 = vector.broadcast %gt3A_8 : f32 to vector<256x8xf32>
      %gt3A_10 = arith.cmpf ogt, %get3A_7, %gt3A_9 : vector<256x8xf32>
      %convert_element_type3A_11 = arith.extui %gt3A_10 : vector<256x8xi1> to vector<256x8xi32>
      %convert_element_type3A_12 = arith.sitofp %convert_element_type3A_11 : vector<256x8xi32> to vector<256x8xf32>
      %convert_element_type3A_13 = arith.truncf %convert_element_type3A_12 : vector<256x8xf32> to vector<256x8xbf16>
      %iota3A = tpu.iota {dimensions = array<i32: 0>} : vector<256x256xi32>
      %iota3A_14 = tpu.iota {dimensions = array<i32: 1>} : vector<256x256xi32>
      %lt3A = arith.cmpi slt, %iota3A_14, %iota3A : vector<256x256xi32>
      %convert_element_type3A_15 = arith.extui %lt3A : vector<256x256xi1> to vector<256x256xi32>
      %convert_element_type3A_16 = arith.sitofp %convert_element_type3A_15 : vector<256x256xi32> to vector<256x256xf32>
      %convert_element_type3A_17 = arith.truncf %convert_element_type3A_16 : vector<256x256xf32> to vector<256x256xbf16>
      %dot_general3A = arith.constant dense<0.000000e+00> : vector<256x8xf32>
      %dot_general3A_18 = tpu.matmul %convert_element_type3A_17, %convert_element_type3A_13, %dot_general3A {dimension_numbers = #tpu.dot_dimension_numbers<[1], [0], [0], [1], [0, 0, 1, 1], [], []>, transpose_lhs_hint = false} : vector<256x256xbf16>, vector<256x8xbf16>, vector<256x8xf32> -> vector<256x8xf32>
      %get3A_19 = arith.constant 0 : index
      %get3A_20 = arith.constant 0 : index
      %get3A_21 = vector.load %arg9[%get3A_19, %get3A_20] : memref<1x8xf32, #tpu.memory_space<vmem>>, vector<1x8xf32>
      %add3A = vector.broadcast %get3A_21 : vector<1x8xf32> to vector<256x8xf32>
      %add3A_22 = arith.addf %dot_general3A_18, %add3A : vector<256x8xf32>
      %get3A_23 = arith.constant 0 : index
      %get3A_24 = arith.constant 0 : index
      %get3A_25 = vector.load %arg9[%get3A_23, %get3A_24] : memref<1x8xf32, #tpu.memory_space<vmem>>, vector<1x8xf32>
      %convert_element_type3A_26 = arith.extf %convert_element_type3A_13 : vector<256x8xbf16> to vector<256x8xf32>
      %reduce_sum3A = arith.constant dense<0.000000e+00> : vector<8xf32>
      %reduce_sum3A_27 = vector.multi_reduction <add>, %convert_element_type3A_26, %reduce_sum3A [0] : vector<256x8xf32> to vector<8xf32>
      %broadcast_in_dim3A = vector.shape_cast %reduce_sum3A_27 : vector<8xf32> to vector<1x8xf32>
      %add3A_28 = arith.addf %get3A_25, %broadcast_in_dim3A : vector<1x8xf32>
      %swap3A = arith.constant 0 : index
      %swap3A_29 = arith.constant 0 : index
      %swap3A_30 = vector.load %arg9[%swap3A, %swap3A_29] : memref<1x8xf32, #tpu.memory_space<vmem>>, vector<1x8xf32>
      tpu.vector_store %arg9[%swap3A, %swap3A_29], %add3A_28 {strides = array<i32>} : memref<1x8xf32, #tpu.memory_space<vmem>>, vector<1x8xf32>,
      %get3A_31 = arith.constant 0 : index
      %get3A_32 = arith.constant 0 : index
      %get3A_33 = vector.load %arg8[%get3A_31, %get3A_32] : memref<1x8xf32, #tpu.memory_space<vmem>>, vector<1x8xf32>
      %add3A_34 = vector.broadcast %get3A_33 : vector<1x8xf32> to vector<256x8xf32>
      %add3A_35 = arith.addf %add3A_34, %add3A_22 : vector<256x8xf32>
      %convert_element_type3A_36 = arith.fptosi %add3A_35 : vector<256x8xf32> to vector<256x8xi32>
      %gt3A_37 = arith.constant 0.000000e+00 : f32
      %gt3A_38 = vector.broadcast %gt3A_37 : f32 to vector<256x8xf32>
      %gt3A_39 = arith.cmpf ogt, %get3A_7, %gt3A_38 : vector<256x8xf32>
      %iota3A_40 = tpu.iota {dimensions = array<i32: 1>} : vector<256x8xi32>
      %jit3A = arith.constant 8 : i32
      %broadcast_in_dim3A_41 = vector.broadcast %jit3A : i32 to vector<256x8xi32>
      %select_n3A = arith.select %gt3A_39, %iota3A_40, %broadcast_in_dim3A_41 : vector<256x8xi1>, vector<256x8xi32>
      %reduce_min3A = arith.constant dense<2147483647> : vector<256xi32>
      %reduce_min3A_42 = vector.multi_reduction <minsi>, %select_n3A, %reduce_min3A [1] : vector<256x8xi32> to vector<256xi32>
      %broadcast_in_dim3A_43 = vector.shape_cast %reduce_min3A_42 : vector<256xi32> to vector<256x1xi32>
      %jit3A_44 = arith.constant -1 : i32
      %broadcast_in_dim3A_45 = vector.broadcast %jit3A_44 : i32 to vector<256x8xi32>
      %select_n3A_46 = arith.select %gt3A_39, %iota3A_40, %broadcast_in_dim3A_45 : vector<256x8xi1>, vector<256x8xi32>
      %reduce_max3A = arith.constant dense<-2147483648> : vector<256xi32>
      %reduce_max3A_47 = vector.multi_reduction <maxsi>, %select_n3A_46, %reduce_max3A [1] : vector<256x8xi32> to vector<256xi32>
      %broadcast_in_dim3A_48 = vector.shape_cast %reduce_max3A_47 : vector<256xi32> to vector<256x1xi32>
      %eq3A_49 = vector.broadcast %broadcast_in_dim3A_43 : vector<256x1xi32> to vector<256x8xi32>
      %eq3A_50 = arith.cmpi eq, %iota3A_40, %eq3A_49 : vector<256x8xi32>
      %jit3A_51 = arith.constant 0 : i32
      %broadcast_in_dim3A_52 = vector.broadcast %jit3A_51 : i32 to vector<256x8xi32>
      %select_n3A_53 = arith.select %eq3A_50, %convert_element_type3A_36, %broadcast_in_dim3A_52 : vector<256x8xi1>, vector<256x8xi32>
      %reduce_sum3A_54 = arith.constant dense<0> : vector<256xi32>
      %reduce_sum3A_55 = vector.multi_reduction <add>, %select_n3A_53, %reduce_sum3A_54 [1] : vector<256x8xi32> to vector<256xi32>
      %broadcast_in_dim3A_56 = vector.shape_cast %reduce_sum3A_55 : vector<256xi32> to vector<256x1xi32>
      %swap3A_57 = arith.constant 0 : index
      %swap3A_58 = arith.constant 0 : index
      %swap3A_59 = vector.load %arg3[%swap3A_57, %swap3A_58] : memref<256x1xi32, #tpu.memory_space<vmem>>, vector<256x1xi32>
      tpu.vector_store %arg3[%swap3A_57, %swap3A_58], %broadcast_in_dim3A_56 {strides = array<i32>} : memref<256x1xi32, #tpu.memory_space<vmem>>, vector<256x1xi32>,
      %eq3A_60 = vector.broadcast %broadcast_in_dim3A_48 : vector<256x1xi32> to vector<256x8xi32>
      %eq3A_61 = arith.cmpi eq, %iota3A_40, %eq3A_60 : vector<256x8xi32>
      %jit3A_62 = arith.constant 0 : i32
      %broadcast_in_dim3A_63 = vector.broadcast %jit3A_62 : i32 to vector<256x8xi32>
      %select_n3A_64 = arith.select %eq3A_61, %convert_element_type3A_36, %broadcast_in_dim3A_63 : vector<256x8xi1>, vector<256x8xi32>
      %reduce_sum3A_65 = arith.constant dense<0> : vector<256xi32>
      %reduce_sum3A_66 = vector.multi_reduction <add>, %select_n3A_64, %reduce_sum3A_65 [1] : vector<256x8xi32> to vector<256xi32>
      %broadcast_in_dim3A_67 = vector.shape_cast %reduce_sum3A_66 : vector<256xi32> to vector<256x1xi32>
      %swap3A_68 = arith.constant 0 : index
      %swap3A_69 = arith.constant 0 : index
      %swap3A_70 = vector.load %arg4[%swap3A_68, %swap3A_69] : memref<256x1xi32, #tpu.memory_space<vmem>>, vector<256x1xi32>
      tpu.vector_store %arg4[%swap3A_68, %swap3A_69], %broadcast_in_dim3A_67 {strides = array<i32>} : memref<256x1xi32, #tpu.memory_space<vmem>>, vector<256x1xi32>,
      %eq3A_71 = vector.broadcast %broadcast_in_dim3A_43 : vector<256x1xi32> to vector<256x8xi32>
      %eq3A_72 = arith.cmpi eq, %iota3A_40, %eq3A_71 : vector<256x8xi32>
      %jit3A_73 = arith.constant 0.000000e+00 : f32
      %broadcast_in_dim3A_74 = vector.broadcast %jit3A_73 : f32 to vector<256x8xf32>
      %select_n3A_75 = arith.select %eq3A_72, %get3A_7, %broadcast_in_dim3A_74 : vector<256x8xi1>, vector<256x8xf32>
      %reduce_sum3A_76 = arith.constant dense<0.000000e+00> : vector<256xf32>
      %reduce_sum3A_77 = vector.multi_reduction <add>, %select_n3A_75, %reduce_sum3A_76 [1] : vector<256x8xf32> to vector<256xf32>
      %broadcast_in_dim3A_78 = vector.shape_cast %reduce_sum3A_77 : vector<256xf32> to vector<256x1xf32>
      %swap3A_79 = arith.constant 0 : index
      %swap3A_80 = arith.constant 0 : index
      %swap3A_81 = vector.load %arg5[%swap3A_79, %swap3A_80] : memref<256x1xf32, #tpu.memory_space<vmem>>, vector<256x1xf32>
      tpu.vector_store %arg5[%swap3A_79, %swap3A_80], %broadcast_in_dim3A_78 {strides = array<i32>} : memref<256x1xf32, #tpu.memory_space<vmem>>, vector<256x1xf32>,
      %eq3A_82 = vector.broadcast %broadcast_in_dim3A_48 : vector<256x1xi32> to vector<256x8xi32>
      %eq3A_83 = arith.cmpi eq, %iota3A_40, %eq3A_82 : vector<256x8xi32>
      %jit3A_84 = arith.constant 0.000000e+00 : f32
      %broadcast_in_dim3A_85 = vector.broadcast %jit3A_84 : f32 to vector<256x8xf32>
      %select_n3A_86 = arith.select %eq3A_83, %get3A_7, %broadcast_in_dim3A_85 : vector<256x8xi1>, vector<256x8xf32>
      %reduce_sum3A_87 = arith.constant dense<0.000000e+00> : vector<256xf32>
      %reduce_sum3A_88 = vector.multi_reduction <add>, %select_n3A_86, %reduce_sum3A_87 [1] : vector<256x8xf32> to vector<256xf32>
      %broadcast_in_dim3A_89 = vector.shape_cast %reduce_sum3A_88 : vector<256xf32> to vector<256x1xf32>
      %swap3A_90 = arith.constant 0 : index
      %swap3A_91 = arith.constant 0 : index
      %swap3A_92 = vector.load %arg6[%swap3A_90, %swap3A_91] : memref<256x1xf32, #tpu.memory_space<vmem>>, vector<256x1xf32>
      tpu.vector_store %arg6[%swap3A_90, %swap3A_91], %broadcast_in_dim3A_89 {strides = array<i32>} : memref<256x1xf32, #tpu.memory_space<vmem>>, vector<256x1xf32>,
    } else {
    }
    return
  }
  func.func @transform_0(%arg0: i32) -> (i32, i32) {
    %c0_i32 = arith.constant 0 : i32
    %c0_i32_0 = arith.constant 0 : i32
    %c0_i32_1 = arith.constant 0 : i32
    return %c0_i32, %c0_i32_0 : i32, i32
  }
  func.func @transform_1(%arg0: i32) -> (i32, i32) {
    %sub3A = arith.constant 1 : i32
    %sub3A_0 = arith.subi %arg0, %sub3A : i32
    %max3A = arith.constant 0 : i32
    %max3A_1 = arith.maxsi %sub3A_0, %max3A : i32
    %c0_i32 = arith.constant 0 : i32
    %c0_i32_2 = arith.constant 0 : i32
    return %max3A_1, %c0_i32 : i32, i32
  }
  func.func @transform_2(%arg0: i32) -> (i32, i32) {
    %sub3A = arith.constant 1 : i32
    %sub3A_0 = arith.subi %arg0, %sub3A : i32
    %max3A = arith.constant 0 : i32
    %max3A_1 = arith.maxsi %sub3A_0, %max3A : i32
    %c0_i32 = arith.constant 0 : i32
    %c0_i32_2 = arith.constant 0 : i32
    return %max3A_1, %c0_i32 : i32, i32
  }
  func.func @transform_3(%arg0: i32) -> (i32, i32) {
    %sub3A = arith.constant 1 : i32
    %sub3A_0 = arith.subi %arg0, %sub3A : i32
    %max3A = arith.constant 0 : i32
    %max3A_1 = arith.maxsi %sub3A_0, %max3A : i32
    %c0_i32 = arith.constant 0 : i32
    %c0_i32_2 = arith.constant 0 : i32
    return %max3A_1, %c0_i32 : i32, i32
  }
  func.func @transform_4(%arg0: i32) -> (i32, i32) {
    %sub3A = arith.constant 1 : i32
    %sub3A_0 = arith.subi %arg0, %sub3A : i32
    %max3A = arith.constant 0 : i32
    %max3A_1 = arith.maxsi %sub3A_0, %max3A : i32
    %c0_i32 = arith.constant 0 : i32
    %c0_i32_2 = arith.constant 0 : i32
    return %max3A_1, %c0_i32 : i32, i32
  }
  func.func @transform_5(%arg0: i32) -> (i32, i32) {
    %sub3A = arith.constant 1 : i32
    %sub3A_0 = arith.subi %arg0, %sub3A : i32
    %max3A = arith.constant 0 : i32
    %max3A_1 = arith.maxsi %sub3A_0, %max3A : i32
    %c0_i32 = arith.constant 0 : i32
    %c0_i32_2 = arith.constant 0 : i32
    return %max3A_1, %c0_i32 : i32, i32
  }
  func.func @transform_6(%arg0: i32) -> (i32, i32) {
    %c0_i32 = arith.constant 0 : i32
    %c0_i32_0 = arith.constant 0 : i32
    %c0_i32_1 = arith.constant 0 : i32
    return %c0_i32, %c0_i32_0 : i32, i32
  }
}

module attributes {stable_mosaic.version = 14 : i64} {
  func.func @_grouped_kernel(%arg0: i32, %arg1: memref<40xi32, #tpu.memory_space<smem>>, %arg2: memref<128x1024xbf16, #tpu.memory_space<vmem>>, %arg3: memref<1x512x1024xbf16, #tpu.memory_space<vmem>>, %arg4: memref<1x512x1024xbf16, #tpu.memory_space<vmem>>, %arg5: memref<1x1024x512xbf16, #tpu.memory_space<vmem>>, %arg6: memref<128x1024xbf16, #tpu.memory_space<vmem>>) attributes {dimension_semantics = [#tpu.dimension_semantics<arbitrary>], iteration_bounds = array<i64: 40>, scalar_prefetch = 1 : i64, scratch_operands = 0 : i64, tpu.core_type = #tpu.core_type<tc>, window_params = [{transform_indices = @transform_0, window_bounds = array<i64: 128, 1024>}, {transform_indices = @transform_1, window_bounds = array<i64: 1, 512, 1024>}, {transform_indices = @transform_2, window_bounds = array<i64: 1, 512, 1024>}, {transform_indices = @transform_3, window_bounds = array<i64: 1, 1024, 512>}, {transform_indices = @transform_4, window_bounds = array<i64: 128, 1024>}]} {
    %get3A = arith.constant 0 : index
    %get3A_0 = arith.constant 0 : index
    %get3A_1 = vector.load %arg2[%get3A, %get3A_0] : memref<128x1024xbf16, #tpu.memory_space<vmem>>, vector<128x1024xbf16>
    %get3A_2 = arith.constant 0 : index
    %get3A_3 = arith.constant 0 : index
    %get3A_4 = arith.constant 0 : index
    %get3A_5 = vector.load %arg3[%get3A_2, %get3A_3, %get3A_4] : memref<1x512x1024xbf16, #tpu.memory_space<vmem>>, vector<1x512x1024xbf16>
    %get3A_6 = vector.shape_cast %get3A_5 : vector<1x512x1024xbf16> to vector<512x1024xbf16>
    %dot_general3A = arith.constant dense<0.000000e+00> : vector<128x512xf32>
    %dot_general3A_7 = tpu.matmul %get3A_1, %get3A_6, %dot_general3A {dimension_numbers = #tpu.dot_dimension_numbers<[1], [1], [0], [0], [0, 0, 1, 0], [], []>, transpose_lhs_hint = false} : vector<128x1024xbf16>, vector<512x1024xbf16>, vector<128x512xf32> -> vector<128x512xf32>
    %get3A_8 = arith.constant 0 : index
    %get3A_9 = arith.constant 0 : index
    %get3A_10 = arith.constant 0 : index
    %get3A_11 = vector.load %arg4[%get3A_8, %get3A_9, %get3A_10] : memref<1x512x1024xbf16, #tpu.memory_space<vmem>>, vector<1x512x1024xbf16>
    %get3A_12 = vector.shape_cast %get3A_11 : vector<1x512x1024xbf16> to vector<512x1024xbf16>
    %dot_general3A_13 = arith.constant dense<0.000000e+00> : vector<128x512xf32>
    %dot_general3A_14 = tpu.matmul %get3A_1, %get3A_12, %dot_general3A_13 {dimension_numbers = #tpu.dot_dimension_numbers<[1], [1], [0], [0], [0, 0, 1, 0], [], []>, transpose_lhs_hint = false} : vector<128x1024xbf16>, vector<512x1024xbf16>, vector<128x512xf32> -> vector<128x512xf32>
    %logistic3A = arith.negf %dot_general3A_7 : vector<128x512xf32>
    %logistic3A_15 = math.exp %logistic3A : vector<128x512xf32>
    %logistic3A_16 = arith.constant 1.000000e+00 : f32
    %logistic3A_17 = vector.broadcast %logistic3A_16 : f32 to vector<128x512xf32>
    %logistic3A_18 = arith.addf %logistic3A_17, %logistic3A_15 : vector<128x512xf32>
    %logistic3A_19 = arith.divf %logistic3A_17, %logistic3A_18 : vector<128x512xf32>
    %mul3A = arith.mulf %dot_general3A_7, %logistic3A_19 : vector<128x512xf32>
    %mul3A_20 = arith.mulf %mul3A, %dot_general3A_14 : vector<128x512xf32>
    %convert_element_type3A = arith.truncf %mul3A_20 : vector<128x512xf32> to vector<128x512xbf16>
    %get3A_21 = arith.constant 0 : index
    %get3A_22 = arith.constant 0 : index
    %get3A_23 = arith.constant 0 : index
    %get3A_24 = vector.load %arg5[%get3A_21, %get3A_22, %get3A_23] : memref<1x1024x512xbf16, #tpu.memory_space<vmem>>, vector<1x1024x512xbf16>
    %get3A_25 = vector.shape_cast %get3A_24 : vector<1x1024x512xbf16> to vector<1024x512xbf16>
    %dot_general3A_26 = arith.constant dense<0.000000e+00> : vector<128x1024xf32>
    %dot_general3A_27 = tpu.matmul %convert_element_type3A, %get3A_25, %dot_general3A_26 {dimension_numbers = #tpu.dot_dimension_numbers<[1], [1], [0], [0], [0, 0, 1, 0], [], []>, transpose_lhs_hint = false} : vector<128x512xbf16>, vector<1024x512xbf16>, vector<128x1024xf32> -> vector<128x1024xf32>
    %convert_element_type3A_28 = arith.truncf %dot_general3A_27 : vector<128x1024xf32> to vector<128x1024xbf16>
    %swap3A = arith.constant 0 : index
    %swap3A_29 = arith.constant 0 : index
    %swap3A_30 = vector.load %arg6[%swap3A, %swap3A_29] : memref<128x1024xbf16, #tpu.memory_space<vmem>>, vector<128x1024xbf16>
    tpu.vector_store %arg6[%swap3A, %swap3A_29], %convert_element_type3A_28 {strides = array<i32>} : memref<128x1024xbf16, #tpu.memory_space<vmem>>, vector<128x1024xbf16>,
    return
  }
  func.func @transform_0(%arg0: i32, %arg1: memref<40xi32, #tpu.memory_space<smem>>) -> (i32, i32) {
    %c0_i32 = arith.constant 0 : i32
    %c0_i32_0 = arith.constant 0 : i32
    return %arg0, %c0_i32 : i32, i32
  }
  func.func @transform_1(%arg0: i32, %arg1: memref<40xi32, #tpu.memory_space<smem>>) -> (i32, i32, i32) {
    %get3A = arith.index_cast %arg0 : i32 to index
    %get3A_0 = memref.load %arg1[%get3A] : memref<40xi32, #tpu.memory_space<smem>>
    %c0_i32 = arith.constant 0 : i32
    %c0_i32_1 = arith.constant 0 : i32
    %c0_i32_2 = arith.constant 0 : i32
    return %get3A_0, %c0_i32, %c0_i32_1 : i32, i32, i32
  }
  func.func @transform_2(%arg0: i32, %arg1: memref<40xi32, #tpu.memory_space<smem>>) -> (i32, i32, i32) {
    %get3A = arith.index_cast %arg0 : i32 to index
    %get3A_0 = memref.load %arg1[%get3A] : memref<40xi32, #tpu.memory_space<smem>>
    %c0_i32 = arith.constant 0 : i32
    %c0_i32_1 = arith.constant 0 : i32
    %c0_i32_2 = arith.constant 0 : i32
    return %get3A_0, %c0_i32, %c0_i32_1 : i32, i32, i32
  }
  func.func @transform_3(%arg0: i32, %arg1: memref<40xi32, #tpu.memory_space<smem>>) -> (i32, i32, i32) {
    %get3A = arith.index_cast %arg0 : i32 to index
    %get3A_0 = memref.load %arg1[%get3A] : memref<40xi32, #tpu.memory_space<smem>>
    %c0_i32 = arith.constant 0 : i32
    %c0_i32_1 = arith.constant 0 : i32
    %c0_i32_2 = arith.constant 0 : i32
    return %get3A_0, %c0_i32, %c0_i32_1 : i32, i32, i32
  }
  func.func @transform_4(%arg0: i32, %arg1: memref<40xi32, #tpu.memory_space<smem>>) -> (i32, i32) {
    %c0_i32 = arith.constant 0 : i32
    %c0_i32_0 = arith.constant 0 : i32
    return %arg0, %c0_i32 : i32, i32
  }
}

module attributes {stable_mosaic.version = 14 : i64} {
  func.func @_combine_kernel(%arg0: i32, %arg1: memref<256x1024xf32, #tpu.memory_space<vmem>>, %arg2: memref<256x1024xbf16, #tpu.memory_space<vmem>>, %arg3: memref<256x1024xbf16, #tpu.memory_space<vmem>>, %arg4: memref<256x1024xbf16, #tpu.memory_space<vmem>>, %arg5: memref<256x1xf32, #tpu.memory_space<vmem>>, %arg6: memref<256x1xf32, #tpu.memory_space<vmem>>, %arg7: memref<512x1024xbf16, #tpu.memory_space<vmem>>, %arg8: memref<512x1024xbf16, #tpu.memory_space<vmem>>, %arg9: memref<1024x512xbf16, #tpu.memory_space<vmem>>, %arg10: memref<256x1024xf32, #tpu.memory_space<vmem>>) attributes {dimension_semantics = [#tpu.dimension_semantics<arbitrary>], iteration_bounds = array<i64: 8>, scalar_prefetch = 0 : i64, scratch_operands = 0 : i64, tpu.core_type = #tpu.core_type<tc>, window_params = [{transform_indices = @transform_0, window_bounds = array<i64: 256, 1024>}, {transform_indices = @transform_1, window_bounds = array<i64: 256, 1024>}, {transform_indices = @transform_2, window_bounds = array<i64: 256, 1024>}, {transform_indices = @transform_3, window_bounds = array<i64: 256, 1024>}, {transform_indices = @transform_4, window_bounds = array<i64: 256, 1>}, {transform_indices = @transform_5, window_bounds = array<i64: 256, 1>}, {pipeline_mode = #tpu.pipeline_mode<synchronous>, transform_indices = @transform_6, window_bounds = array<i64: 512, 1024>}, {pipeline_mode = #tpu.pipeline_mode<synchronous>, transform_indices = @transform_7, window_bounds = array<i64: 512, 1024>}, {pipeline_mode = #tpu.pipeline_mode<synchronous>, transform_indices = @transform_8, window_bounds = array<i64: 1024, 512>}, {transform_indices = @transform_9, window_bounds = array<i64: 256, 1024>}]} {
    %get3A = arith.constant 0 : index
    %get3A_0 = arith.constant 0 : index
    %get3A_1 = vector.load %arg2[%get3A, %get3A_0] : memref<256x1024xbf16, #tpu.memory_space<vmem>>, vector<256x1024xbf16>
    %get3A_2 = arith.constant 0 : index
    %get3A_3 = arith.constant 0 : index
    %get3A_4 = vector.load %arg7[%get3A_2, %get3A_3] : memref<512x1024xbf16, #tpu.memory_space<vmem>>, vector<512x1024xbf16>
    %dot_general3A = arith.constant dense<0.000000e+00> : vector<256x512xf32>
    %dot_general3A_5 = tpu.matmul %get3A_1, %get3A_4, %dot_general3A {dimension_numbers = #tpu.dot_dimension_numbers<[1], [1], [0], [0], [0, 0, 1, 0], [], []>, transpose_lhs_hint = false} : vector<256x1024xbf16>, vector<512x1024xbf16>, vector<256x512xf32> -> vector<256x512xf32>
    %get3A_6 = arith.constant 0 : index
    %get3A_7 = arith.constant 0 : index
    %get3A_8 = vector.load %arg8[%get3A_6, %get3A_7] : memref<512x1024xbf16, #tpu.memory_space<vmem>>, vector<512x1024xbf16>
    %dot_general3A_9 = arith.constant dense<0.000000e+00> : vector<256x512xf32>
    %dot_general3A_10 = tpu.matmul %get3A_1, %get3A_8, %dot_general3A_9 {dimension_numbers = #tpu.dot_dimension_numbers<[1], [1], [0], [0], [0, 0, 1, 0], [], []>, transpose_lhs_hint = false} : vector<256x1024xbf16>, vector<512x1024xbf16>, vector<256x512xf32> -> vector<256x512xf32>
    %logistic3A = arith.negf %dot_general3A_5 : vector<256x512xf32>
    %logistic3A_11 = math.exp %logistic3A : vector<256x512xf32>
    %logistic3A_12 = arith.constant 1.000000e+00 : f32
    %logistic3A_13 = vector.broadcast %logistic3A_12 : f32 to vector<256x512xf32>
    %logistic3A_14 = arith.addf %logistic3A_13, %logistic3A_11 : vector<256x512xf32>
    %logistic3A_15 = arith.divf %logistic3A_13, %logistic3A_14 : vector<256x512xf32>
    %mul3A = arith.mulf %dot_general3A_5, %logistic3A_15 : vector<256x512xf32>
    %mul3A_16 = arith.mulf %mul3A, %dot_general3A_10 : vector<256x512xf32>
    %convert_element_type3A = arith.truncf %mul3A_16 : vector<256x512xf32> to vector<256x512xbf16>
    %get3A_17 = arith.constant 0 : index
    %get3A_18 = arith.constant 0 : index
    %get3A_19 = vector.load %arg9[%get3A_17, %get3A_18] : memref<1024x512xbf16, #tpu.memory_space<vmem>>, vector<1024x512xbf16>
    %dot_general3A_20 = arith.constant dense<0.000000e+00> : vector<256x1024xf32>
    %dot_general3A_21 = tpu.matmul %convert_element_type3A, %get3A_19, %dot_general3A_20 {dimension_numbers = #tpu.dot_dimension_numbers<[1], [1], [0], [0], [0, 0, 1, 0], [], []>, transpose_lhs_hint = false} : vector<256x512xbf16>, vector<1024x512xbf16>, vector<256x1024xf32> -> vector<256x1024xf32>
    %get3A_22 = arith.constant 0 : index
    %get3A_23 = arith.constant 0 : index
    %get3A_24 = vector.load %arg1[%get3A_22, %get3A_23] : memref<256x1024xf32, #tpu.memory_space<vmem>>, vector<256x1024xf32>
    %add3A = arith.addf %get3A_24, %dot_general3A_21 : vector<256x1024xf32>
    %get3A_25 = arith.constant 0 : index
    %get3A_26 = arith.constant 0 : index
    %get3A_27 = vector.load %arg5[%get3A_25, %get3A_26] : memref<256x1xf32, #tpu.memory_space<vmem>>, vector<256x1xf32>
    %get3A_28 = arith.constant 0 : index
    %get3A_29 = arith.constant 0 : index
    %get3A_30 = vector.load %arg3[%get3A_28, %get3A_29] : memref<256x1024xbf16, #tpu.memory_space<vmem>>, vector<256x1024xbf16>
    %convert_element_type3A_31 = arith.extf %get3A_30 : vector<256x1024xbf16> to vector<256x1024xf32>
    %mul3A_32 = vector.broadcast %get3A_27 : vector<256x1xf32> to vector<256x1024xf32>
    %mul3A_33 = arith.mulf %mul3A_32, %convert_element_type3A_31 : vector<256x1024xf32>
    %add3A_34 = arith.addf %add3A, %mul3A_33 : vector<256x1024xf32>
    %get3A_35 = arith.constant 0 : index
    %get3A_36 = arith.constant 0 : index
    %get3A_37 = vector.load %arg6[%get3A_35, %get3A_36] : memref<256x1xf32, #tpu.memory_space<vmem>>, vector<256x1xf32>
    %get3A_38 = arith.constant 0 : index
    %get3A_39 = arith.constant 0 : index
    %get3A_40 = vector.load %arg4[%get3A_38, %get3A_39] : memref<256x1024xbf16, #tpu.memory_space<vmem>>, vector<256x1024xbf16>
    %convert_element_type3A_41 = arith.extf %get3A_40 : vector<256x1024xbf16> to vector<256x1024xf32>
    %mul3A_42 = vector.broadcast %get3A_37 : vector<256x1xf32> to vector<256x1024xf32>
    %mul3A_43 = arith.mulf %mul3A_42, %convert_element_type3A_41 : vector<256x1024xf32>
    %add3A_44 = arith.addf %add3A_34, %mul3A_43 : vector<256x1024xf32>
    %swap3A = arith.constant 0 : index
    %swap3A_45 = arith.constant 0 : index
    %swap3A_46 = vector.load %arg10[%swap3A, %swap3A_45] : memref<256x1024xf32, #tpu.memory_space<vmem>>, vector<256x1024xf32>
    tpu.vector_store %arg10[%swap3A, %swap3A_45], %add3A_44 {strides = array<i32>} : memref<256x1024xf32, #tpu.memory_space<vmem>>, vector<256x1024xf32>,
    return
  }
  func.func @transform_0(%arg0: i32) -> (i32, i32) {
    %c0_i32 = arith.constant 0 : i32
    %c0_i32_0 = arith.constant 0 : i32
    return %arg0, %c0_i32 : i32, i32
  }
  func.func @transform_1(%arg0: i32) -> (i32, i32) {
    %c0_i32 = arith.constant 0 : i32
    %c0_i32_0 = arith.constant 0 : i32
    return %arg0, %c0_i32 : i32, i32
  }
  func.func @transform_2(%arg0: i32) -> (i32, i32) {
    %c0_i32 = arith.constant 0 : i32
    %c0_i32_0 = arith.constant 0 : i32
    return %arg0, %c0_i32 : i32, i32
  }
  func.func @transform_3(%arg0: i32) -> (i32, i32) {
    %c0_i32 = arith.constant 0 : i32
    %c0_i32_0 = arith.constant 0 : i32
    return %arg0, %c0_i32 : i32, i32
  }
  func.func @transform_4(%arg0: i32) -> (i32, i32) {
    %c0_i32 = arith.constant 0 : i32
    %c0_i32_0 = arith.constant 0 : i32
    return %arg0, %c0_i32 : i32, i32
  }
  func.func @transform_5(%arg0: i32) -> (i32, i32) {
    %c0_i32 = arith.constant 0 : i32
    %c0_i32_0 = arith.constant 0 : i32
    return %arg0, %c0_i32 : i32, i32
  }
  func.func @transform_6(%arg0: i32) -> (i32, i32) {
    %c0_i32 = arith.constant 0 : i32
    %c0_i32_0 = arith.constant 0 : i32
    %c0_i32_1 = arith.constant 0 : i32
    return %c0_i32, %c0_i32_0 : i32, i32
  }
  func.func @transform_7(%arg0: i32) -> (i32, i32) {
    %c0_i32 = arith.constant 0 : i32
    %c0_i32_0 = arith.constant 0 : i32
    %c0_i32_1 = arith.constant 0 : i32
    return %c0_i32, %c0_i32_0 : i32, i32
  }
  func.func @transform_8(%arg0: i32) -> (i32, i32) {
    %c0_i32 = arith.constant 0 : i32
    %c0_i32_0 = arith.constant 0 : i32
    %c0_i32_1 = arith.constant 0 : i32
    return %c0_i32, %c0_i32_0 : i32, i32
  }
  func.func @transform_9(%arg0: i32) -> (i32, i32) {
    %c0_i32 = arith.constant 0 : i32
    %c0_i32_0 = arith.constant 0 : i32
    return %arg0, %c0_i32 : i32, i32
  }
}

</mosaic_0001>

<sc_bundles>
// kernel: kernel.10.cloned.1.call-start
scs
__scs_entry_jumppad:
0x0: {  	(pc) =	sbr.rel $0x88, $3  }
0x1: {  	(tag) =	ssettag $0x0;
	lr =	simm.s32 $0x1  }
0x2: {  	[smem:$0x3F92] =	sst lr;
	_ =	strace $0xD0000000  }
0x3: {  	_ = 	snop  }
0x4: {  	_ = 	snop  }
0x5: {  	_ = 	snop  }
0x6: {  	_ = 	snop  }
0x7: {  	_ = 	snop  }
__scs_overlays_trampoline_lowered:
0x8: {  	[smem:$0x3FA1] =	sst s0  }
0x9: {  	[smem:$0x3FA2] =	sst s1  }
0xa: {  	[smem:$0x3FA3] =	sst s2  }
0xb: {  	[smem:$0x3FA4] =	sst s3  }
0xc: {  	[smem:$0x3FA5] =	sst s4  }
0xd: {  	[smem:$0x3FA6] =	sst s5  }
0xe: {  	[smem:$0x3FA7] =	sst s6  }
0xf: {  	[smem:$0x3FA8] =	sst s7  }
0x10: {  	[smem:$0x3FA9] =	sst s8  }
0x11: {  	[smem:$0x3FAA] =	sst s9;
	s0 =	simm.s32 @!p0 $0x0  }
0x12: {  	s1 =	sld [smem:$0x3F90];
	s0 =	simm.s32 @p0 $0x1  }
0x13: {  	[smem:$0x3FAB] =	sst s0;
	s0 =	simm.s32 @!p1 $0x0  }
0x14: {  	s2 =	sld [smem:$0x3F8F];
	s0 =	simm.s32 @p1 $0x1  }
0x15: {  	[smem:$0x3FAC] =	sst s0;
	s0 =	simm.s32 @!p2 $0x0  }
0x16: {  	s3 =	sld [smem:$0x3FDB];
	s0 =	simm.s32 @p2 $0x1  }
0x17: {  	s4 =	simm.s32 $0x1BF5;
	[smem:$0x3FAE] =	sst s0  }
0x18: {  	s0 =	sld [smem:$0x3F91];
	_ =	swait.ge [sflag:s4], $0x0  }
0x19: {  	s7 =	sld [smem:$0x3F92]  }
0x1a: {  	s8 =	sadd.s32 $0xFFFFE003, lr  }
0x1b: {  	s9 =	sadd.s32 $0xFFFFFEF7, lr;
	s5 =	simm.s32 $0xFFFFFFFF;
	p2 =	slt.u32 s8, $0xFFFFF086  }
0x1c: {  	p1 =	slt.u32 s9, $0xF7A;
	s5 =	simm.s32 @!p2 $0x0  }
0x1d: {  	s5 =	simm.s32 @p1 $0x1;
	p0 =	seq.s32 s7, s2  }
0x1e: {  	s7 =	smul.u32 @!p0 $0xF7A, s2;
	p2 =	seq.s32 @!p0 s5, $0x0  }
0x1f: {  	s9 =	smul.u32 $0xF7A, s1;
	s8 =	simm.s32 @!p0 $0x1BF5;
	p2 =	por !p2, p0  }
0x20: {  	[sflag:s8] =	ssyncset.s32 @!p0 $0xFFFFF086;
	s6 =	sadd.s32 @!p0 s3, s7;
	s7 =	simm.s32 @!p0 $0x108  }
0x21: {  	s3 =	sadd.s32 s3, s9;
	s6 =	sadd.s32 @!p0 $0x88, s6;
	s7 =	simm.s32 @p2 $0x1082  }
0x22: {  	[simem:s7], [sflag:s8] =	dma.local @!p0 [hbm:s6], $0xF7A  }
0x23: {  	s9 =	sor.u32 $0xD0000000, s2;
	s6 =	simm.s32 $0x108;
	_ =	swait.ge @!p0 [sflag:s8], $0x0  }
0x24: {  	s3 =	sadd.s32 $0x88, s3;
	s6 =	simm.s32 @!p1 $0x1082;
	[sflag:s4] =	ssyncset.s32 $0xFFFFF086  }
0x25: {  	[simem:s6], [sflag:s4] =	dma.local [hbm:s3], $0xF7A  }
0x26: {  	[smem:$0x3F92] =	sst s1;
	(tag) =	ssettag s2;
	_ =	strace s9  }
0x27: {  	s1 =	sld [smem:$0x3FA2]  }
0x28: {  	s2 =	sld [smem:$0x3FA3]  }
0x29: {  	s4 =	sld [smem:$0x3FA5]  }
0x2a: {  	p0 =	seq.s32 s5, $0x0;
	s5 =	sld [smem:$0x3FA6]  }
0x2b: {  	s6 =	sld [smem:$0x3FA7]  }
0x2c: {  	s7 =	sld [smem:$0x3FA8]  }
0x2d: {  	s3 =	simm.s32 $0x108;
	s8 =	sld [smem:$0x3FA9]  }
0x2e: {  	s3 =	simm.s32 @!p0 $0x1082;
	s9 =	sld [smem:$0x3FAA]  }
0x2f: {  	lr =	sadd.s32 s0, s3;
	s0 =	sld [smem:$0x3FA1]  }
0x30: {  	s3 =	sld [smem:$0x3FA4]  }
0x31: {  	[smem:$0x3FAD] =	sst s10  }
0x32: {  	s10 =	sld [smem:$0x3FAB];
	_ =	sdelay $0x3  }
0x33: {  	p0 =	seq.s32 s10, $0x1;
	s10 =	sld [smem:$0x3FAD];
	_ =	sdelay $0x3  }
0x34: {  	[smem:$0x3FAD] =	sst s10  }
0x35: {  	s10 =	sld [smem:$0x3FAC];
	_ =	sdelay $0x3  }
0x36: {  	p1 =	seq.s32 s10, $0x1;
	s10 =	sld [smem:$0x3FAD];
	_ =	sdelay $0x3  }
0x37: {  	[smem:$0x3FAD] =	sst s10  }
0x38: {  	s10 =	sld [smem:$0x3FAE]  }
0x39: {  	_ = 	snop;
	(pc) =	sbr.ind lr, $3  }
0x3a: {  	_ = 	snop  }
0x3b: {  	_ = 	snop  }
0x3c: {  	p2 =	seq.s32 s10, $0x1;
	s10 =	sld [smem:$0x3FAD]  }
0x3d: {  	_ =	shalt  }
0x3e: {  	_ =	shalt  }
0x3f: {  	_ =	shalt  }
0x40: {  	_ =	shalt  }
0x41: {  	_ =	shalt  }
0x42: {  	_ =	shalt  }
0x43: {  	_ =	shalt  }
0x44: {  	_ =	shalt  }
0x45: {  	_ =	shalt  }
0x46: {  	_ =	shalt  }
0x47: {  	_ =	shalt  }
0x48: {  	_ =	shalt  }
0x49: {  	_ =	shalt  }
0x4a: {  	_ =	shalt  }
0x4b: {  	_ =	shalt  }
0x4c: {  	_ =	shalt  }
0x4d: {  	_ =	shalt  }
0x4e: {  	_ =	shalt  }
0x4f: {  	_ =	shalt  }
0x50: {  	_ =	shalt  }
0x51: {  	_ =	shalt  }
0x52: {  	_ =	shalt  }
0x53: {  	_ =	shalt  }
0x54: {  	_ =	shalt  }
0x55: {  	_ =	shalt  }
0x56: {  	_ =	shalt  }
0x57: {  	_ =	shalt  }
0x58: {  	_ =	shalt  }
0x59: {  	_ =	shalt  }
0x5a: {  	_ =	shalt  }
0x5b: {  	_ =	shalt  }
0x5c: {  	_ =	shalt  }
0x5d: {  	_ =	shalt  }
0x5e: {  	_ =	shalt  }
0x5f: {  	_ =	shalt  }
0x60: {  	_ =	shalt  }
0x61: {  	_ =	shalt  }
0x62: {  	_ =	shalt  }
0x63: {  	_ =	shalt  }
0x64: {  	_ =	shalt  }
0x65: {  	_ =	shalt  }
0x66: {  	_ =	shalt  }
0x67: {  	_ =	shalt  }
0x68: {  	_ =	shalt  }
0x69: {  	_ =	shalt  }
0x6a: {  	_ =	shalt  }
0x6b: {  	_ =	shalt  }
0x6c: {  	_ =	shalt  }
0x6d: {  	_ =	shalt  }
0x6e: {  	_ =	shalt  }
0x6f: {  	_ =	shalt  }
0x70: {  	_ =	shalt  }
0x71: {  	_ =	shalt  }
0x72: {  	_ =	shalt  }
0x73: {  	_ =	shalt  }
0x74: {  	_ =	shalt  }
0x75: {  	_ =	shalt  }
0x76: {  	_ =	shalt  }
0x77: {  	_ =	shalt  }
0x78: {  	_ =	shalt  }
0x79: {  	_ =	shalt  }
0x7a: {  	_ =	shalt  }
0x7b: {  	_ =	shalt  }
0x7c: {  	_ =	shalt  }
0x7d: {  	_ =	shalt  }
0x7e: {  	_ =	shalt  }
0x7f: {  	_ =	shalt  }
0x80: {  	_ =	shalt  }
0x81: {  	_ =	shalt  }
0x82: {  	_ =	shalt  }
0x83: {  	_ =	shalt  }
0x84: {  	_ =	shalt  }
0x85: {  	_ =	shalt  }
0x86: {  	_ =	shalt  }
0x87: {  	_ =	shalt  }
.Lfunc_end0:
.L_simem_size_0:
called_computation_lowered:
.L_overlay_start_0:
0x88: {  	s2 =	sld [smem:$0x3FD9]  }
0x89: {  	s3 =	sld [smem:$0x3FFE];
	_ =	sdelay $0x1  }
0x8a: {  	s1 =	srdreg.scid  }
0x8b: {  	s0 =	sand.u32 $0x1, s1  }
0x8c: {  	s16 =	sshll.u32 s0, $0xA;
	s2 =	sadd.s32 s3, s2  }
0x8d: {  	s2 =	sadd.s32 s2, s16  }
0x8e: {  	[smem:$0x3FB9] =	sst s2  }
0x8f: {  	_ = 	snop  }
0x90: {  	(tm) =	ssettm $0x1  }
0x91: {  	s17 =	sld [smem:$0x3FFB];
	_ =	sdelay $0x3  }
0x92: {  	_ =	strace s17  }
0x93: {  	s2 =	sld [smem:$0x3FFC];
	_ =	sdelay $0x3  }
0x94: {  	_ =	strace s2  }
0x95: {  	s2 =	sld [smem:$0x3FFD];
	_ =	sdelay $0x3  }
0x96: {  	_ =	strace s2  }
0x97: {  	_ =	strace $0x8FFFFFFF  }
0x98: {  	s18 =	sld [smem:$0x3FDB];
	_ =	sdelay $0x1  }
0x99: {  	s19 =	simm.s32 $_scs_section_size  }
0x9a: {  	s4 =	simm.s32 $_size__tile_overlayer_lowered;
	s5 =	simm.s32 $_tile_overlayer_lowered  }
0x9b: {  	s22 =	simm.s32 $0x1BFF;
	s21 =	sshll.u32 s5, $0x1;
	s2 =	sadd.s32 s19, s18  }
0x9c: {  	s6 =	simm.s32 $0x0;
	s20 =	sshll.u32 s4, $0x1;
	s4 =	sadd.s32 s21, s2  }
0x9d: {  	[timem:s6], [sflag:s22] =	dma.local [hbm:s4], s20  }
0x9e: {  	_ =	swait.ge [sflag:s22], s20  }
0x9f: {  	s3 =	ssub.s32 $0x0, s20;
	[sflag:s22] =	ssyncset.done $0x0  }
0xa0: {  	[sflag:s22] =	ssyncadd.s32 s3;
	_ =	sdelay $0x1  }
0xa1: {  	s23 =	simm.s32 $0x1B8B  }
0xa2: {  	_ =	swait.ge [sflag:s23], $0x1  }
0xa3: {  	[sflag:s23] =	ssyncset.done $0x0  }
0xa4: {  	s25 =	simm.s32 $0x1B8E;
	s24 =	sld [smem:$0x3FFE];
	[sflag:s23] =	ssyncadd.s32 $0xFFFFFFFF  }
0xa5: {  	s26 =	simm.s32 $execute0_lowered;
	[smem:$0x3FD2] =	sst s25  }
0xa6: {  	s4 =	sshll.u32 s26, $0x1;
	_ =	strace $0x80000046;
	[dreg:$0x1] =	wrdreg $0xFFFFFFFF  }
0xa7: {  	s28 =	simm.s32 $_size_execute0_lowered;
	s2 =	sadd.s32 s2, s4;
	[dreg:$0x0] =	wrdreg $0x0  }
0xa8: {  	s4 =	sshll.u32 s28, $0x1;
	[dreg:$0x2] =	wrdreg s2  }
0xa9: {  	[dreg:$0x3] =	wrdreg s4  }
0xaa: {  	[dreg:$0x4] =	wrdreg $0xC0  }
0xab: {  	_ =	task [dreg:s6], $0x5FFFF  }
0xac: {  	[dreg:$0x1] =	wrdreg $0xFFFFFFFF  }
0xad: {  	[dreg:$0x0] =	wrdreg $0x60  }
0xae: {  	[dreg:$0x2] =	wrdreg s24  }
0xaf: {  	[dreg:$0x3] =	wrdreg $0x9  }
0xb0: {  	_ =	task.clear_ibuf [dreg:s6], $0x4FFFF;
	_ =	strace $0x90000046  }
0xb1: {  	s29 =	simm.s32 $0x9;
	_ =	strace $0x80000048  }
0xb2: {  	_ =	swait.ge [sflag:s29], $0x1  }
0xb3: {  	[sflag:s29] =	ssyncadd.s32 $0xFFFFFFFF  }
0xb4: {  	_ =	strace $0x90000048  }
0xb5: {  	_ =	sfence  }
0xb6: {  	s30 =	sld [smem:$0x0];
	_ =	sdelay $0x2  }
0xb7: {  	s31 =	sshll.u32 s1, $0xD;
	s1 =	sshrl.u32 s1, $0x2  }
0xb8: {  	s3 =	sand.u32 $0x4000, s31;
	s1 =	sadd.s32 s1, s30  }
0xb9: {  	s0 =	sor.u32 s3, s0;
	s1 =	sshll.u32 s1, $0x11  }
0xba: {  	s0 =	sor.u32 s1, s0  }
0xbb: {  	s0 =	sadd.s32 $0x8F2B, s0  }
0xbc: {  	[sflag:s0] =	ssyncadd.remote.s32 $0x1  }
0xbd: {  	_ =	sfence.sel $0xFFFF  }
0xbe: {  	[dreg:$0x0] =	wrdreg $0xFFFFFFFF;
	(pc) =	sbr.abs _section_cstart, $3  }
0xbf: {  	[dreg:$0x1] =	wrdreg $0xFFFFFFFF  }
0xc0: {  	_ =	task.clear_ibuf [dreg:s6], $0x2FFFF;
	_ =	strace $0x9FFFFFFF  }
0xc1: {  	(tm) =	ssettm $0x7FFFFFFF  }
tec
execute0_lowered:
.L_overlay_start_1:
0x0: {  	(tag) =	ssettag $0x1  }
0x1: {  	s6 =	rddreg [dreg:$0x0]  }
0x2: {  	s0 =	rddreg [dreg:$0x1]  }
0x3: {  	s3 =	srdreg.scid;
	s2 =	simm.s32 $0x0;
	s1 =	stileid.u32  }
0x4: {  	s10 =	simm.s32 $0x1;
	s11 =	simm.s32 $0x880;
	s12 =	simm.s32 $0x1080  }
0x5: {  	s13 =	simm.s32 $0x1880;
	s14 =	simm.s32 $0x2080;
	s15 =	simm.s32 $0x2880  }
0x6: {  	s16 =	simm.s32 $0x3080;
	s17 =	simm.s32 $0x3880;
	s18 =	simm.s32 $0x4080  }
0x7: {  	s19 =	simm.s32 $0x4880;
	s20 =	simm.s32 $0x5080;
	s21 =	simm.s32 $0x5880  }
0x8: {  	s22 =	simm.s32 $0x6080;
	s23 =	simm.s32 $0x6880;
	s24 =	simm.s32 $0x7080  }
0x9: {  	s25 =	simm.s32 $0x7880;
	s3 =	sand.u32 $0x1, s3;
	[smem:$0x7FF] =	sst s2  }
0xa: {  	s4 =	sshll.u32 s1, $0x7;
	s5 =	sshll.u32 s3, $0x6;
	_ =	strace $0x80000047  }
0xb: {  	s7 =	ssub.s32 $0x2, s3;
	s3 =	sadd.s32 $0x93800, s6;
	s4 =	sor.u32 s5, s4  }
0xc: {  	s31 =	sshrl.u32 s7, $0x1;
	s5 =	sshll.u32 s4, $0x6;
	s4 =	sshrl.u32 s4, $0x3  }
0xd: {  	v2 =	vlaneseq.u32;
	s9 =	ssub.s32 s7, s31;
	s5 =	sadd.s32 s5, s6;
	s8 =	sadd.s32 s4, s6  }
0xe: {  	vm0 =	vmmov $0xffff;
	v1 =	vshrl.u32 v2, $0x3;
	s6 =	sadd.s32 $0x93900, s6;
	s4 =	sadd.s32 $0x63400, s5;
	s5 =	sadd.s32 $0x93400, s8  }
0xf: {  	v0 =	vand.u32 $0x7, v2;
	v2 =	vor.u32 $0x8, v2;
	v1 =	vmul.u32 $0x8, v1;
	s7 =	sadd.s32 $0x93600, s8;
	s8 =	smax.u32 s9, $0x1;
	s9 =	simm.s32 $0x80  }
.LBB2_1:
0x10: {  	[tilespmem:s9], [sflag:$0x1] =	stream.linear.gather [hbm4b:s4+s2], $0x8000, $0x38;
	[tilespmem:$0x8080] =	vst v63  }
0x11: {  	_ =	swait.ge [sflag:s10], $0x8000  }
0x12: {  	[sflag:s10] =	ssyncset.done $0x0  }
0x13: {  	[sflag:s10] =	ssyncadd.s32 $0xFFFF8000  }
0x14: {  	[tilespmem:s2], [sflag:$0x1] =	stream.linear.gather [hbm4b:s5+s2], $0x40, $0x38;
	[tilespmem:$0x8080] =	vst v63  }
0x15: {  	_ =	swait.ge [sflag:s10], $0x40  }
0x16: {  	[sflag:s10] =	ssyncset.done $0x0  }
0x17: {  	[sflag:s10] =	ssyncadd.s32 $0xFFFFFFC0  }
0x18: {  	v3 =	vld [tilespmem:$0x0];
	_ =	sdelay $0x4  }
0x19: {  	v4 =	vshll.u32 v3, $0x2  }
0x1a: {  	v3 =	vand.u32 $0x7, v3;
	v4 =	vand.u32 $0xFFFFFFE0, v4  }
0x1b: {  	v3 =	vor.u32 v3, v4  }
0x1c: {  	v4 =	vperm.xlane v3, v0;
	_ =	sdelay $0x1  }
0x1d: {  	v4 =	vadd.s32 v1, v4;
	_ =	sdelay $0x1  }
0x1e: {  	v3 =	vperm.xlane v3, v2;
	_ =	sdelay $0x1  }
0x1f: {  	v3 =	vadd.s32 v1, v3  }
0x20: {  	[hbm4b:s3+s2] =	stream.indirect_vreg.scatter [tilespmem:s9], [sflag:$0x1], $0x80, v4, vm0, $0xb8;
	[tilespmem:$0x8080] =	vst v63  }
0x21: {  	_ = 	snop  }
0x22: {  	[hbm4b:s6+s2] =	stream.indirect_vreg.scatter [tilespmem:s11], [sflag:$0x1], $0x80, v4, vm0, $0xb8;
	[tilespmem:$0x8080] =	vst v63  }
0x23: {  	_ = 	snop  }
0x24: {  	[hbm4b:s3+s2] =	stream.indirect_vreg.scatter [tilespmem:s12], [sflag:$0x1], $0x80, v3, vm0, $0xb8;
	[tilespmem:$0x8080] =	vst v63  }
0x25: {  	_ = 	snop  }
0x26: {  	[hbm4b:s6+s2] =	stream.indirect_vreg.scatter [tilespmem:s13], [sflag:$0x1], $0x80, v3, vm0, $0xb8;
	[tilespmem:$0x8080] =	vst v63  }
0x27: {  	v3 =	vld [tilespmem:$0x10];
	_ =	sdelay $0x4  }
0x28: {  	v57 =	vshll.u32 v3, $0x2  }
0x29: {  	v3 =	vand.u32 $0x7, v3;
	v4 =	vand.u32 $0xFFFFFFE0, v57  }
0x2a: {  	v3 =	vor.u32 v3, v4  }
0x2b: {  	v4 =	vperm.xlane v3, v0;
	_ =	sdelay $0x1  }
0x2c: {  	v4 =	vadd.s32 v1, v4;
	_ =	sdelay $0x1  }
0x2d: {  	v3 =	vperm.xlane v3, v2;
	_ =	sdelay $0x1  }
0x2e: {  	v3 =	vadd.s32 v1, v3  }
0x2f: {  	[hbm4b:s3+s2] =	stream.indirect_vreg.scatter [tilespmem:s14], [sflag:$0x1], $0x80, v4, vm0, $0xb8;
	[tilespmem:$0x8080] =	vst v63  }
0x30: {  	_ = 	snop  }
0x31: {  	[hbm4b:s6+s2] =	stream.indirect_vreg.scatter [tilespmem:s15], [sflag:$0x1], $0x80, v4, vm0, $0xb8;
	[tilespmem:$0x8080] =	vst v63  }
0x32: {  	_ = 	snop  }
0x33: {  	[hbm4b:s3+s2] =	stream.indirect_vreg.scatter [tilespmem:s16], [sflag:$0x1], $0x80, v3, vm0, $0xb8;
	[tilespmem:$0x8080] =	vst v63  }
0x34: {  	_ = 	snop  }
0x35: {  	[hbm4b:s6+s2] =	stream.indirect_vreg.scatter [tilespmem:s17], [sflag:$0x1], $0x80, v3, vm0, $0xb8;
	[tilespmem:$0x8080] =	vst v63  }
0x36: {  	v3 =	vld [tilespmem:$0x20];
	_ =	sdelay $0x4  }
0x37: {  	v58 =	vshll.u32 v3, $0x2  }
0x38: {  	v3 =	vand.u32 $0x7, v3;
	v4 =	vand.u32 $0xFFFFFFE0, v58  }
0x39: {  	v3 =	vor.u32 v3, v4  }
0x3a: {  	v4 =	vperm.xlane v3, v0;
	_ =	sdelay $0x1  }
0x3b: {  	v4 =	vadd.s32 v1, v4;
	_ =	sdelay $0x1  }
0x3c: {  	v3 =	vperm.xlane v3, v2;
	_ =	sdelay $0x1  }
0x3d: {  	v3 =	vadd.s32 v1, v3  }
0x3e: {  	[hbm4b:s3+s2] =	stream.indirect_vreg.scatter [tilespmem:s18], [sflag:$0x1], $0x80, v4, vm0, $0xb8;
	[tilespmem:$0x8080] =	vst v63  }
0x3f: {  	_ = 	snop  }
0x40: {  	[hbm4b:s6+s2] =	stream.indirect_vreg.scatter [tilespmem:s19], [sflag:$0x1], $0x80, v4, vm0, $0xb8;
	[tilespmem:$0x8080] =	vst v63  }
0x41: {  	_ = 	snop  }
0x42: {  	[hbm4b:s3+s2] =	stream.indirect_vreg.scatter [tilespmem:s20], [sflag:$0x1], $0x80, v3, vm0, $0xb8;
	[tilespmem:$0x8080] =	vst v63  }
0x43: {  	_ = 	snop  }
0x44: {  	[hbm4b:s6+s2] =	stream.indirect_vreg.scatter [tilespmem:s21], [sflag:$0x1], $0x80, v3, vm0, $0xb8;
	[tilespmem:$0x8080] =	vst v63  }
0x45: {  	v3 =	vld [tilespmem:$0x30];
	_ =	sdelay $0x4  }
0x46: {  	v59 =	vshll.u32 v3, $0x2  }
0x47: {  	v3 =	vand.u32 $0x7, v3;
	v4 =	vand.u32 $0xFFFFFFE0, v59  }
0x48: {  	v3 =	vor.u32 v3, v4  }
0x49: {  	v4 =	vperm.xlane v3, v0;
	_ =	sdelay $0x1  }
0x4a: {  	v4 =	vadd.s32 v1, v4;
	_ =	sdelay $0x1  }
0x4b: {  	v3 =	vperm.xlane v3, v2;
	_ =	sdelay $0x1  }
0x4c: {  	v3 =	vadd.s32 v1, v3  }
0x4d: {  	[hbm4b:s3+s2] =	stream.indirect_vreg.scatter [tilespmem:s22], [sflag:$0x1], $0x80, v4, vm0, $0xb8;
	[tilespmem:$0x8080] =	vst v63  }
0x4e: {  	_ = 	snop  }
0x4f: {  	[hbm4b:s6+s2] =	stream.indirect_vreg.scatter [tilespmem:s23], [sflag:$0x1], $0x80, v4, vm0, $0xb8;
	[tilespmem:$0x8080] =	vst v63  }
0x50: {  	_ = 	snop  }
0x51: {  	[hbm4b:s3+s2] =	stream.indirect_vreg.scatter [tilespmem:s24], [sflag:$0x1], $0x80, v3, vm0, $0xb8;
	[tilespmem:$0x8080] =	vst v63  }
0x52: {  	_ = 	snop  }
0x53: {  	[hbm4b:s6+s2] =	stream.indirect_vreg.scatter [tilespmem:s25], [sflag:$0x1], $0x80, v3, vm0, $0xb8;
	[tilespmem:$0x8080] =	vst v63  }
0x54: {  	_ =	swait.ge [sflag:s10], $0x8000  }
0x55: {  	[sflag:s10] =	ssyncset.done $0x0  }
0x56: {  	[sflag:s10] =	ssyncadd.s32 $0xFFFF8000  }
0x57: {  	[tilespmem:s2], [sflag:$0x1] =	stream.linear.gather [hbm4b:s7+s2], $0x40, $0x38;
	[tilespmem:$0x8080] =	vst v63  }
0x58: {  	_ =	swait.ge [sflag:s10], $0x40  }
0x59: {  	[sflag:s10] =	ssyncset.done $0x0  }
0x5a: {  	[sflag:s10] =	ssyncadd.s32 $0xFFFFFFC0  }
0x5b: {  	v3 =	vld [tilespmem:$0x0];
	_ =	sdelay $0x4  }
0x5c: {  	v60 =	vshll.u32 v3, $0x2  }
0x5d: {  	v3 =	vand.u32 $0x7, v3;
	v4 =	vand.u32 $0xFFFFFFE0, v60  }
0x5e: {  	v3 =	vor.u32 v3, v4  }
0x5f: {  	v4 =	vperm.xlane v3, v0;
	_ =	sdelay $0x1  }
0x60: {  	v4 =	vadd.s32 v1, v4;
	_ =	sdelay $0x1  }
0x61: {  	v3 =	vperm.xlane v3, v2;
	_ =	sdelay $0x1  }
0x62: {  	v3 =	vadd.s32 v1, v3  }
0x63: {  	[hbm4b:s3+s2] =	stream.indirect_vreg.scatter [tilespmem:s9], [sflag:$0x1], $0x80, v4, vm0, $0xb8;
	[tilespmem:$0x8080] =	vst v63  }
0x64: {  	_ = 	snop  }
0x65: {  	[hbm4b:s6+s2] =	stream.indirect_vreg.scatter [tilespmem:s11], [sflag:$0x1], $0x80, v4, vm0, $0xb8;
	[tilespmem:$0x8080] =	vst v63  }
0x66: {  	_ = 	snop  }
0x67: {  	[hbm4b:s3+s2] =	stream.indirect_vreg.scatter [tilespmem:s12], [sflag:$0x1], $0x80, v3, vm0, $0xb8;
	[tilespmem:$0x8080] =	vst v63  }
0x68: {  	_ = 	snop  }
0x69: {  	[hbm4b:s6+s2] =	stream.indirect_vreg.scatter [tilespmem:s13], [sflag:$0x1], $0x80, v3, vm0, $0xb8;
	[tilespmem:$0x8080] =	vst v63  }
0x6a: {  	v3 =	vld [tilespmem:$0x10];
	_ =	sdelay $0x4  }
0x6b: {  	v61 =	vshll.u32 v3, $0x2  }
0x6c: {  	v3 =	vand.u32 $0x7, v3;
	v4 =	vand.u32 $0xFFFFFFE0, v61  }
0x6d: {  	v3 =	vor.u32 v3, v4  }
0x6e: {  	v4 =	vperm.xlane v3, v0;
	_ =	sdelay $0x1  }
0x6f: {  	v4 =	vadd.s32 v1, v4;
	_ =	sdelay $0x1  }
0x70: {  	v3 =	vperm.xlane v3, v2;
	_ =	sdelay $0x1  }
0x71: {  	v3 =	vadd.s32 v1, v3  }
0x72: {  	[hbm4b:s3+s2] =	stream.indirect_vreg.scatter [tilespmem:s14], [sflag:$0x1], $0x80, v4, vm0, $0xb8;
	[tilespmem:$0x8080] =	vst v63  }
0x73: {  	_ = 	snop  }
0x74: {  	[hbm4b:s6+s2] =	stream.indirect_vreg.scatter [tilespmem:s15], [sflag:$0x1], $0x80, v4, vm0, $0xb8;
	[tilespmem:$0x8080] =	vst v63  }
0x75: {  	_ = 	snop  }
0x76: {  	[hbm4b:s3+s2] =	stream.indirect_vreg.scatter [tilespmem:s16], [sflag:$0x1], $0x80, v3, vm0, $0xb8;
	[tilespmem:$0x8080] =	vst v63  }
0x77: {  	_ = 	snop  }
0x78: {  	[hbm4b:s6+s2] =	stream.indirect_vreg.scatter [tilespmem:s17], [sflag:$0x1], $0x80, v3, vm0, $0xb8;
	[tilespmem:$0x8080] =	vst v63  }
0x79: {  	v3 =	vld [tilespmem:$0x20];
	_ =	sdelay $0x4  }
0x7a: {  	v62 =	vshll.u32 v3, $0x2  }
0x7b: {  	v3 =	vand.u32 $0x7, v3;
	v4 =	vand.u32 $0xFFFFFFE0, v62  }
0x7c: {  	v3 =	vor.u32 v3, v4  }
0x7d: {  	v4 =	vperm.xlane v3, v0;
	_ =	sdelay $0x1  }
0x7e: {  	v4 =	vadd.s32 v1, v4;
	_ =	sdelay $0x1  }
0x7f: {  	v3 =	vperm.xlane v3, v2;
	_ =	sdelay $0x1  }
0x80: {  	v3 =	vadd.s32 v1, v3  }
0x81: {  	[hbm4b:s3+s2] =	stream.indirect_vreg.scatter [tilespmem:s18], [sflag:$0x1], $0x80, v4, vm0, $0xb8;
	[tilespmem:$0x8080] =	vst v63  }
0x82: {  	_ = 	snop  }
0x83: {  	[hbm4b:s6+s2] =	stream.indirect_vreg.scatter [tilespmem:s19], [sflag:$0x1], $0x80, v4, vm0, $0xb8;
	[tilespmem:$0x8080] =	vst v63  }
0x84: {  	_ = 	snop  }
0x85: {  	[hbm4b:s3+s2] =	stream.indirect_vreg.scatter [tilespmem:s20], [sflag:$0x1], $0x80, v3, vm0, $0xb8;
	[tilespmem:$0x8080] =	vst v63  }
0x86: {  	_ = 	snop  }
0x87: {  	[hbm4b:s6+s2] =	stream.indirect_vreg.scatter [tilespmem:s21], [sflag:$0x1], $0x80, v3, vm0, $0xb8;
	[tilespmem:$0x8080] =	vst v63  }
0x88: {  	v3 =	vld [tilespmem:$0x30];
	_ =	sdelay $0x4  }
0x89: {  	v63 =	vshll.u32 v3, $0x2  }
0x8a: {  	v3 =	vand.u32 $0x7, v3;
	v4 =	vand.u32 $0xFFFFFFE0, v63  }
0x8b: {  	v3 =	vor.u32 v3, v4  }
0x8c: {  	v4 =	vperm.xlane v3, v0;
	_ =	sdelay $0x1  }
0x8d: {  	v4 =	vadd.s32 v1, v4;
	_ =	sdelay $0x1  }
0x8e: {  	v3 =	vperm.xlane v3, v2;
	_ =	sdelay $0x1  }
0x8f: {  	v3 =	vadd.s32 v1, v3  }
0x90: {  	[hbm4b:s3+s2] =	stream.indirect_vreg.scatter [tilespmem:s22], [sflag:$0x1], $0x80, v4, vm0, $0xb8;
	[tilespmem:$0x8080] =	vst v63  }
0x91: {  	_ = 	snop  }
0x92: {  	[hbm4b:s6+s2] =	stream.indirect_vreg.scatter [tilespmem:s23], [sflag:$0x1], $0x80, v4, vm0, $0xb8;
	[tilespmem:$0x8080] =	vst v63  }
0x93: {  	p0 =	sne.s32 s8, $0x1  }
0x94: {  	[hbm4b:s3+s2] =	stream.indirect_vreg.scatter [tilespmem:s24], [sflag:$0x1], $0x80, v3, vm0, $0xb8;
	[tilespmem:$0x8080] =	vst v63  }
.Ltmp0:
0x95: {  	_ = 	snop;
	(pc) =	sbr.rel @p0 .LBB2_1-.Ltmp0, $4  }
0x96: {  	[hbm4b:s6+s2] =	stream.indirect_vreg.scatter [tilespmem:s25], [sflag:$0x1], $0x80, v3, vm0, $0xb8;
	[tilespmem:$0x8080] =	vst v63  }
0x97: {  	_ =	swait.ge [sflag:s10], $0x8000  }
0x98: {  	[sflag:s10] =	ssyncset.done $0x0  }
0x99: {  	s8 =	sadd.s32 $0xFFFFFFFF, s8;
	[sflag:s10] =	ssyncadd.s32 $0xFFFF8000  }
0x9a: {  	_ =	sfence.sel $0x180000  }
0x9b: {  	[bflag:$0x0] =	sbarrier.arrive $0xFFFF  }
0x9c: {  	p0 =	sne.s32 s1, $0x0;
	_ =	strace $0x90000047  }
0x9d: {  	s0 =	sadd.s32 @!p0 $0x100000, s0;
	[bflag:$0x2] =	sbarrier.arrive $0xFFFF  }
0x9e: {  	[sflag:s0] =	ssyncadd.tile.s32 @!p0 $0x1;
	_ =	shalt  }
.Lfunc_end2:
_tile_overlayer_lowered:
.L_overlay_start_2:
0x9f: {  	(tag) =	ssettag $0x2  }
0xa0: {  	s0 =	rddreg [dreg:$0x0];
	s2 =	stileid.u32  }
0xa1: {  	s1 =	rddreg [dreg:$0x1];
	p0 =	sne.s32 s2, $0x0  }
0xa2: {  	s3 =	rddreg [dreg:$0x2];
	[bflag:$0x3] =	sbarrier.arrive $0xFFFF;
	s2 =	simm.s32 @!p0 $0x1C01  }
0xa3: {  	[timem:s3], [sflag:s2] =	dma.local @!p0 [hbm:s0], s1  }
0xa4: {  	s0 =	simm.s32 @!p0 $0x1  }
0xa5: {  	_ =	swait.ge @!p0 [sflag:s0], s1  }
0xa6: {  	s1 =	ssub.s32 @!p0 $0x0, s1;
	[sflag:s0] =	ssyncset.done @!p0 $0x0  }
0xa7: {  	[sflag:s0] =	ssyncadd.s32 @!p0 s1  }
0xa8: {  	[bflag:$0x3] =	sbarrier.arrive $0xFFFF  }
0xa9: {  	_ =	shalt  }

// kernel: kernel.13.cloned.1.call-start
scs
__scs_entry_jumppad:
0x0: {  	(pc) =	sbr.rel $0x88, $3  }
0x1: {  	(tag) =	ssettag $0x0;
	lr =	simm.s32 $0x1  }
0x2: {  	[smem:$0x3F92] =	sst lr;
	_ =	strace $0xD0000000  }
0x3: {  	_ = 	snop  }
0x4: {  	_ = 	snop  }
0x5: {  	_ = 	snop  }
0x6: {  	_ = 	snop  }
0x7: {  	_ = 	snop  }
__scs_overlays_trampoline_lowered:
0x8: {  	[smem:$0x3FA1] =	sst s0  }
0x9: {  	[smem:$0x3FA2] =	sst s1  }
0xa: {  	[smem:$0x3FA3] =	sst s2  }
0xb: {  	[smem:$0x3FA4] =	sst s3  }
0xc: {  	[smem:$0x3FA5] =	sst s4  }
0xd: {  	[smem:$0x3FA6] =	sst s5  }
0xe: {  	[smem:$0x3FA7] =	sst s6  }
0xf: {  	[smem:$0x3FA8] =	sst s7  }
0x10: {  	[smem:$0x3FA9] =	sst s8  }
0x11: {  	[smem:$0x3FAA] =	sst s9;
	s0 =	simm.s32 @!p0 $0x0  }
0x12: {  	s1 =	sld [smem:$0x3F90];
	s0 =	simm.s32 @p0 $0x1  }
0x13: {  	[smem:$0x3FAB] =	sst s0;
	s0 =	simm.s32 @!p1 $0x0  }
0x14: {  	s2 =	sld [smem:$0x3F8F];
	s0 =	simm.s32 @p1 $0x1  }
0x15: {  	[smem:$0x3FAC] =	sst s0;
	s0 =	simm.s32 @!p2 $0x0  }
0x16: {  	s3 =	sld [smem:$0x3FDB];
	s0 =	simm.s32 @p2 $0x1  }
0x17: {  	s4 =	simm.s32 $0x1BF5;
	[smem:$0x3FAE] =	sst s0  }
0x18: {  	s0 =	sld [smem:$0x3F91];
	_ =	swait.ge [sflag:s4], $0x0  }
0x19: {  	s7 =	sld [smem:$0x3F92]  }
0x1a: {  	s8 =	sadd.s32 $0xFFFFE003, lr  }
0x1b: {  	s9 =	sadd.s32 $0xFFFFFEF7, lr;
	s5 =	simm.s32 $0xFFFFFFFF;
	p2 =	slt.u32 s8, $0xFFFFF086  }
0x1c: {  	p1 =	slt.u32 s9, $0xF7A;
	s5 =	simm.s32 @!p2 $0x0  }
0x1d: {  	s5 =	simm.s32 @p1 $0x1;
	p0 =	seq.s32 s7, s2  }
0x1e: {  	s7 =	smul.u32 @!p0 $0xF7A, s2;
	p2 =	seq.s32 @!p0 s5, $0x0  }
0x1f: {  	s9 =	smul.u32 $0xF7A, s1;
	s8 =	simm.s32 @!p0 $0x1BF5;
	p2 =	por !p2, p0  }
0x20: {  	[sflag:s8] =	ssyncset.s32 @!p0 $0xFFFFF086;
	s6 =	sadd.s32 @!p0 s3, s7;
	s7 =	simm.s32 @!p0 $0x108  }
0x21: {  	s3 =	sadd.s32 s3, s9;
	s6 =	sadd.s32 @!p0 $0x88, s6;
	s7 =	simm.s32 @p2 $0x1082  }
0x22: {  	[simem:s7], [sflag:s8] =	dma.local @!p0 [hbm:s6], $0xF7A  }
0x23: {  	s9 =	sor.u32 $0xD0000000, s2;
	s6 =	simm.s32 $0x108;
	_ =	swait.ge @!p0 [sflag:s8], $0x0  }
0x24: {  	s3 =	sadd.s32 $0x88, s3;
	s6 =	simm.s32 @!p1 $0x1082;
	[sflag:s4] =	ssyncset.s32 $0xFFFFF086  }
0x25: {  	[simem:s6], [sflag:s4] =	dma.local [hbm:s3], $0xF7A  }
0x26: {  	[smem:$0x3F92] =	sst s1;
	(tag) =	ssettag s2;
	_ =	strace s9  }
0x27: {  	s1 =	sld [smem:$0x3FA2]  }
0x28: {  	s2 =	sld [smem:$0x3FA3]  }
0x29: {  	s4 =	sld [smem:$0x3FA5]  }
0x2a: {  	p0 =	seq.s32 s5, $0x0;
	s5 =	sld [smem:$0x3FA6]  }
0x2b: {  	s6 =	sld [smem:$0x3FA7]  }
0x2c: {  	s7 =	sld [smem:$0x3FA8]  }
0x2d: {  	s3 =	simm.s32 $0x108;
	s8 =	sld [smem:$0x3FA9]  }
0x2e: {  	s3 =	simm.s32 @!p0 $0x1082;
	s9 =	sld [smem:$0x3FAA]  }
0x2f: {  	lr =	sadd.s32 s0, s3;
	s0 =	sld [smem:$0x3FA1]  }
0x30: {  	s3 =	sld [smem:$0x3FA4]  }
0x31: {  	[smem:$0x3FAD] =	sst s10  }
0x32: {  	s10 =	sld [smem:$0x3FAB];
	_ =	sdelay $0x3  }
0x33: {  	p0 =	seq.s32 s10, $0x1;
	s10 =	sld [smem:$0x3FAD];
	_ =	sdelay $0x3  }
0x34: {  	[smem:$0x3FAD] =	sst s10  }
0x35: {  	s10 =	sld [smem:$0x3FAC];
	_ =	sdelay $0x3  }
0x36: {  	p1 =	seq.s32 s10, $0x1;
	s10 =	sld [smem:$0x3FAD];
	_ =	sdelay $0x3  }
0x37: {  	[smem:$0x3FAD] =	sst s10  }
0x38: {  	s10 =	sld [smem:$0x3FAE]  }
0x39: {  	_ = 	snop;
	(pc) =	sbr.ind lr, $3  }
0x3a: {  	_ = 	snop  }
0x3b: {  	_ = 	snop  }
0x3c: {  	p2 =	seq.s32 s10, $0x1;
	s10 =	sld [smem:$0x3FAD]  }
0x3d: {  	_ =	shalt  }
0x3e: {  	_ =	shalt  }
0x3f: {  	_ =	shalt  }
0x40: {  	_ =	shalt  }
0x41: {  	_ =	shalt  }
0x42: {  	_ =	shalt  }
0x43: {  	_ =	shalt  }
0x44: {  	_ =	shalt  }
0x45: {  	_ =	shalt  }
0x46: {  	_ =	shalt  }
0x47: {  	_ =	shalt  }
0x48: {  	_ =	shalt  }
0x49: {  	_ =	shalt  }
0x4a: {  	_ =	shalt  }
0x4b: {  	_ =	shalt  }
0x4c: {  	_ =	shalt  }
0x4d: {  	_ =	shalt  }
0x4e: {  	_ =	shalt  }
0x4f: {  	_ =	shalt  }
0x50: {  	_ =	shalt  }
0x51: {  	_ =	shalt  }
0x52: {  	_ =	shalt  }
0x53: {  	_ =	shalt  }
0x54: {  	_ =	shalt  }
0x55: {  	_ =	shalt  }
0x56: {  	_ =	shalt  }
0x57: {  	_ =	shalt  }
0x58: {  	_ =	shalt  }
0x59: {  	_ =	shalt  }
0x5a: {  	_ =	shalt  }
0x5b: {  	_ =	shalt  }
0x5c: {  	_ =	shalt  }
0x5d: {  	_ =	shalt  }
0x5e: {  	_ =	shalt  }
0x5f: {  	_ =	shalt  }
0x60: {  	_ =	shalt  }
0x61: {  	_ =	shalt  }
0x62: {  	_ =	shalt  }
0x63: {  	_ =	shalt  }
0x64: {  	_ =	shalt  }
0x65: {  	_ =	shalt  }
0x66: {  	_ =	shalt  }
0x67: {  	_ =	shalt  }
0x68: {  	_ =	shalt  }
0x69: {  	_ =	shalt  }
0x6a: {  	_ =	shalt  }
0x6b: {  	_ =	shalt  }
0x6c: {  	_ =	shalt  }
0x6d: {  	_ =	shalt  }
0x6e: {  	_ =	shalt  }
0x6f: {  	_ =	shalt  }
0x70: {  	_ =	shalt  }
0x71: {  	_ =	shalt  }
0x72: {  	_ =	shalt  }
0x73: {  	_ =	shalt  }
0x74: {  	_ =	shalt  }
0x75: {  	_ =	shalt  }
0x76: {  	_ =	shalt  }
0x77: {  	_ =	shalt  }
0x78: {  	_ =	shalt  }
0x79: {  	_ =	shalt  }
0x7a: {  	_ =	shalt  }
0x7b: {  	_ =	shalt  }
0x7c: {  	_ =	shalt  }
0x7d: {  	_ =	shalt  }
0x7e: {  	_ =	shalt  }
0x7f: {  	_ =	shalt  }
0x80: {  	_ =	shalt  }
0x81: {  	_ =	shalt  }
0x82: {  	_ =	shalt  }
0x83: {  	_ =	shalt  }
0x84: {  	_ =	shalt  }
0x85: {  	_ =	shalt  }
0x86: {  	_ =	shalt  }
0x87: {  	_ =	shalt  }
.Lfunc_end0:
.L_simem_size_0:
called_computation.1_lowered:
.L_overlay_start_0:
0x88: {  	s2 =	sld [smem:$0x3FD9]  }
0x89: {  	s3 =	sld [smem:$0x3FFE];
	_ =	sdelay $0x1  }
0x8a: {  	s1 =	srdreg.scid  }
0x8b: {  	s0 =	sand.u32 $0x1, s1  }
0x8c: {  	s17 =	sshll.u32 s0, $0xA;
	s2 =	sadd.s32 s3, s2  }
0x8d: {  	s2 =	sadd.s32 s2, s17  }
0x8e: {  	[smem:$0x3FB9] =	sst s2  }
0x8f: {  	_ = 	snop  }
0x90: {  	s2 =	sld [smem:$0x3FD0];
	(tm) =	ssettm $0x1  }
0x91: {  	s18 =	sld [smem:$0x3FFB];
	_ =	sdelay $0x3  }
0x92: {  	_ =	strace s18  }
0x93: {  	s3 =	sld [smem:$0x3FFC];
	_ =	sdelay $0x3  }
0x94: {  	_ =	strace s3  }
0x95: {  	s3 =	sld [smem:$0x3FFD];
	_ =	sdelay $0x3  }
0x96: {  	_ =	strace s3  }
0x97: {  	_ =	strace $0x8FFFFFFF  }
0x98: {  	s19 =	sld [smem:$0x3FDB];
	_ =	sdelay $0x1  }
0x99: {  	s4 =	simm.s32 $_scs_section_size  }
0x9a: {  	s5 =	simm.s32 $_size__tile_overlayer_lowered;
	s6 =	simm.s32 $_tile_overlayer_lowered  }
0x9b: {  	s22 =	simm.s32 $0x1BFF;
	s21 =	sshll.u32 s6, $0x1;
	s3 =	sadd.s32 s4, s19  }
0x9c: {  	s7 =	simm.s32 $0x0;
	s20 =	sshll.u32 s5, $0x1;
	s5 =	sadd.s32 s21, s3  }
0x9d: {  	[timem:s7], [sflag:s22] =	dma.local [hbm:s5], s20  }
0x9e: {  	_ =	swait.ge [sflag:s22], s20  }
0x9f: {  	s4 =	ssub.s32 $0x0, s20;
	[sflag:s22] =	ssyncset.done $0x0  }
0xa0: {  	[sflag:s22] =	ssyncadd.s32 s4;
	_ =	sdelay $0x1  }
0xa1: {  	s23 =	simm.s32 $0x1B8B  }
0xa2: {  	_ =	swait.ge [sflag:s23], $0x1  }
0xa3: {  	[sflag:s23] =	ssyncset.done $0x0  }
0xa4: {  	s25 =	simm.s32 $0x1B8E;
	s24 =	sld [smem:$0x3FFE];
	[sflag:s23] =	ssyncadd.s32 $0xFFFFFFFF  }
0xa5: {  	s26 =	simm.s32 $execute0_lowered;
	[smem:$0x3FD2] =	sst s25  }
0xa6: {  	s5 =	sshll.u32 s26, $0x1;
	_ =	strace $0x80000049;
	[dreg:$0x1] =	wrdreg $0xFFFFFFFF  }
0xa7: {  	s28 =	simm.s32 $_size_execute0_lowered;
	s3 =	sadd.s32 s3, s5;
	[dreg:$0x0] =	wrdreg $0x0  }
0xa8: {  	s5 =	sshll.u32 s28, $0x1;
	[dreg:$0x2] =	wrdreg s3  }
0xa9: {  	[dreg:$0x3] =	wrdreg s5  }
0xaa: {  	[dreg:$0x4] =	wrdreg $0xC0  }
0xab: {  	_ =	task [dreg:s7], $0x5FFFF  }
0xac: {  	[dreg:$0x1] =	wrdreg $0xFFFFFFFF  }
0xad: {  	[dreg:$0x0] =	wrdreg $0x60  }
0xae: {  	[dreg:$0x2] =	wrdreg s24  }
0xaf: {  	[dreg:$0x3] =	wrdreg s2  }
0xb0: {  	[dreg:$0x4] =	wrdreg $0x9  }
0xb1: {  	_ =	task.clear_ibuf [dreg:s7], $0x5FFFF;
	_ =	strace $0x90000049  }
0xb2: {  	s29 =	simm.s32 $0x9;
	_ =	strace $0x8000004B  }
0xb3: {  	_ =	swait.ge [sflag:s29], $0x1  }
0xb4: {  	[sflag:s29] =	ssyncadd.s32 $0xFFFFFFFF  }
0xb5: {  	_ =	strace $0x9000004B  }
0xb6: {  	_ =	sfence  }
0xb7: {  	s30 =	sld [smem:$0x0];
	_ =	sdelay $0x2  }
0xb8: {  	s31 =	sshll.u32 s1, $0xD;
	s1 =	sshrl.u32 s1, $0x2  }
0xb9: {  	s3 =	sand.u32 $0x4000, s31;
	s1 =	sadd.s32 s1, s30  }
0xba: {  	s0 =	sor.u32 s3, s0;
	s1 =	sshll.u32 s1, $0x11  }
0xbb: {  	s0 =	sor.u32 s1, s0  }
0xbc: {  	s0 =	sadd.s32 $0x8F2B, s0  }
0xbd: {  	[sflag:s0] =	ssyncadd.remote.s32 $0x1  }
0xbe: {  	_ =	sfence.sel $0xFFFF  }
0xbf: {  	[dreg:$0x0] =	wrdreg $0xFFFFFFFF;
	(pc) =	sbr.abs _section_cstart, $3  }
0xc0: {  	[dreg:$0x1] =	wrdreg $0xFFFFFFFF  }
0xc1: {  	_ =	task.clear_ibuf [dreg:s7], $0x2FFFF;
	_ =	strace $0x9FFFFFFF  }
0xc2: {  	(tm) =	ssettm $0x7FFFFFFF  }
0xc3: {  	_ =	shalt  }
tec
execute0_lowered:
.L_overlay_start_1:
0x0: {  	(tag) =	ssettag $0x1  }
0x1: {  	s5 =	rddreg [dreg:$0x0]  }
0x2: {  	s8 =	rddreg [dreg:$0x1]  }
0x3: {  	s0 =	rddreg [dreg:$0x2];
	s2 =	simm.s32 $0x0;
	s3 =	srdreg.scid  }
0x4: {  	s1 =	stileid.u32;
	s12 =	simm.s32 $0x880;
	s13 =	simm.s32 $0x1080  }
0x5: {  	s14 =	simm.s32 $0x1880;
	s15 =	simm.s32 $0x2080;
	s16 =	simm.s32 $0x2880  }
0x6: {  	s17 =	simm.s32 $0x3080;
	s18 =	simm.s32 $0x3880;
	s19 =	simm.s32 $0x4080  }
0x7: {  	s20 =	simm.s32 $0x4880;
	s21 =	simm.s32 $0x5080;
	s22 =	simm.s32 $0x5880  }
0x8: {  	s23 =	simm.s32 $0x6080;
	s24 =	simm.s32 $0x6880;
	s25 =	simm.s32 $0x7080  }
0x9: {  	s26 =	simm.s32 $0x7880;
	s28 =	simm.s32 $0x1;
	s4 =	sand.u32 $0x1, s3  }
0xa: {  	[smem:$0x7FF] =	sst s2;
	s6 =	sshll.u32 s1, $0x7;
	s7 =	sshll.u32 s4, $0x6  }
0xb: {  	s3 =	sadd.s32 $0x93800, s5;
	s4 =	ssub.s32 $0x2, s4;
	s6 =	sor.u32 s7, s6  }
0xc: {  	_ =	strace $0x8000004A;
	s31 =	sshrl.u32 s4, $0x1;
	s7 =	sshrl.u32 s6, $0x3  }
0xd: {  	s9 =	sshll.u32 s6, $0x6;
	s11 =	ssub.s32 s4, s31;
	s7 =	sadd.s32 s7, s5  }
0xe: {  	v2 =	vlaneseq.u32;
	s10 =	sadd.s32 s9, s5;
	s5 =	sadd.s32 $0x93900, s5;
	s8 =	sadd.s32 s8, s9  }
0xf: {  	vm0 =	vmmov $0xffff;
	v1 =	vshrl.u32 v2, $0x3;
	s9 =	smax.u32 s11, $0x1;
	s11 =	simm.s32 $0x80;
	s4 =	sadd.s32 $0x93400, s7  }
0x10: {  	v0 =	vand.u32 $0x7, v2;
	v2 =	vor.u32 $0x8, v2;
	v1 =	vmul.u32 $0x8, v1;
	s6 =	sadd.s32 $0x63400, s10;
	s7 =	sadd.s32 $0x93600, s7;
	s10 =	simm.s32 $0x2  }
.LBB2_1:
0x11: {  	[tilespmem:s2], [sflag:$0x2] =	stream.linear.gather [hbm4b:s4+s2], $0x40, $0x38;
	[tilespmem:$0x8080] =	vst v63  }
0x12: {  	_ =	swait.ge [sflag:s10], $0x40  }
0x13: {  	[sflag:s10] =	ssyncset.done $0x0  }
0x14: {  	[sflag:s10] =	ssyncadd.s32 $0xFFFFFFC0  }
0x15: {  	v3 =	vld [tilespmem:$0x0];
	_ =	sdelay $0x4  }
0x16: {  	v4 =	vshll.u32 v3, $0x2  }
0x17: {  	v3 =	vand.u32 $0x7, v3;
	v4 =	vand.u32 $0xFFFFFFE0, v4  }
0x18: {  	v3 =	vor.u32 v3, v4  }
0x19: {  	v4 =	vperm.xlane v3, v0;
	_ =	sdelay $0x1  }
0x1a: {  	v4 =	vadd.s32 v1, v4;
	_ =	sdelay $0x1  }
0x1b: {  	v3 =	vperm.xlane v3, v2;
	_ =	sdelay $0x1  }
0x1c: {  	v3 =	vadd.s32 v1, v3  }
0x1d: {  	[tilespmem:s11], [sflag:$0x1] =	stream.indirect_vreg.gather [hbm4b:s3+s2], $0x80, v4, vm0, $0xb8;
	[tilespmem:$0x8080] =	vst v63  }
0x1e: {  	_ = 	snop  }
0x1f: {  	[tilespmem:s12], [sflag:$0x1] =	stream.indirect_vreg.gather [hbm4b:s5+s2], $0x80, v4, vm0, $0xb8;
	[tilespmem:$0x8080] =	vst v63  }
0x20: {  	_ = 	snop  }
0x21: {  	[tilespmem:s13], [sflag:$0x1] =	stream.indirect_vreg.gather [hbm4b:s3+s2], $0x80, v3, vm0, $0xb8;
	[tilespmem:$0x8080] =	vst v63  }
0x22: {  	_ = 	snop  }
0x23: {  	[tilespmem:s14], [sflag:$0x1] =	stream.indirect_vreg.gather [hbm4b:s5+s2], $0x80, v3, vm0, $0xb8;
	[tilespmem:$0x8080] =	vst v63  }
0x24: {  	v3 =	vld [tilespmem:$0x10];
	_ =	sdelay $0x4  }
0x25: {  	v57 =	vshll.u32 v3, $0x2  }
0x26: {  	v3 =	vand.u32 $0x7, v3;
	v4 =	vand.u32 $0xFFFFFFE0, v57  }
0x27: {  	v3 =	vor.u32 v3, v4  }
0x28: {  	v4 =	vperm.xlane v3, v0;
	_ =	sdelay $0x1  }
0x29: {  	v4 =	vadd.s32 v1, v4;
	_ =	sdelay $0x1  }
0x2a: {  	v3 =	vperm.xlane v3, v2;
	_ =	sdelay $0x1  }
0x2b: {  	v3 =	vadd.s32 v1, v3  }
0x2c: {  	[tilespmem:s15], [sflag:$0x1] =	stream.indirect_vreg.gather [hbm4b:s3+s2], $0x80, v4, vm0, $0xb8;
	[tilespmem:$0x8080] =	vst v63  }
0x2d: {  	_ = 	snop  }
0x2e: {  	[tilespmem:s16], [sflag:$0x1] =	stream.indirect_vreg.gather [hbm4b:s5+s2], $0x80, v4, vm0, $0xb8;
	[tilespmem:$0x8080] =	vst v63  }
0x2f: {  	_ = 	snop  }
0x30: {  	[tilespmem:s17], [sflag:$0x1] =	stream.indirect_vreg.gather [hbm4b:s3+s2], $0x80, v3, vm0, $0xb8;
	[tilespmem:$0x8080] =	vst v63  }
0x31: {  	_ = 	snop  }
0x32: {  	[tilespmem:s18], [sflag:$0x1] =	stream.indirect_vreg.gather [hbm4b:s5+s2], $0x80, v3, vm0, $0xb8;
	[tilespmem:$0x8080] =	vst v63  }
0x33: {  	v3 =	vld [tilespmem:$0x20];
	_ =	sdelay $0x4  }
0x34: {  	v58 =	vshll.u32 v3, $0x2  }
0x35: {  	v3 =	vand.u32 $0x7, v3;
	v4 =	vand.u32 $0xFFFFFFE0, v58  }
0x36: {  	v3 =	vor.u32 v3, v4  }
0x37: {  	v4 =	vperm.xlane v3, v0;
	_ =	sdelay $0x1  }
0x38: {  	v4 =	vadd.s32 v1, v4;
	_ =	sdelay $0x1  }
0x39: {  	v3 =	vperm.xlane v3, v2;
	_ =	sdelay $0x1  }
0x3a: {  	v3 =	vadd.s32 v1, v3  }
0x3b: {  	[tilespmem:s19], [sflag:$0x1] =	stream.indirect_vreg.gather [hbm4b:s3+s2], $0x80, v4, vm0, $0xb8;
	[tilespmem:$0x8080] =	vst v63  }
0x3c: {  	_ = 	snop  }
0x3d: {  	[tilespmem:s20], [sflag:$0x1] =	stream.indirect_vreg.gather [hbm4b:s5+s2], $0x80, v4, vm0, $0xb8;
	[tilespmem:$0x8080] =	vst v63  }
0x3e: {  	_ = 	snop  }
0x3f: {  	[tilespmem:s21], [sflag:$0x1] =	stream.indirect_vreg.gather [hbm4b:s3+s2], $0x80, v3, vm0, $0xb8;
	[tilespmem:$0x8080] =	vst v63  }
0x40: {  	_ = 	snop  }
0x41: {  	[tilespmem:s22], [sflag:$0x1] =	stream.indirect_vreg.gather [hbm4b:s5+s2], $0x80, v3, vm0, $0xb8;
	[tilespmem:$0x8080] =	vst v63  }
0x42: {  	v3 =	vld [tilespmem:$0x30];
	_ =	sdelay $0x4  }
0x43: {  	v59 =	vshll.u32 v3, $0x2  }
0x44: {  	v3 =	vand.u32 $0x7, v3;
	v4 =	vand.u32 $0xFFFFFFE0, v59  }
0x45: {  	v3 =	vor.u32 v3, v4  }
0x46: {  	v4 =	vperm.xlane v3, v0;
	_ =	sdelay $0x1  }
0x47: {  	v4 =	vadd.s32 v1, v4;
	_ =	sdelay $0x1  }
0x48: {  	v3 =	vperm.xlane v3, v2;
	_ =	sdelay $0x1  }
0x49: {  	v3 =	vadd.s32 v1, v3  }
0x4a: {  	[tilespmem:s23], [sflag:$0x1] =	stream.indirect_vreg.gather [hbm4b:s3+s2], $0x80, v4, vm0, $0xb8;
	[tilespmem:$0x8080] =	vst v63  }
0x4b: {  	_ = 	snop  }
0x4c: {  	[tilespmem:s24], [sflag:$0x1] =	stream.indirect_vreg.gather [hbm4b:s5+s2], $0x80, v4, vm0, $0xb8;
	[tilespmem:$0x8080] =	vst v63  }
0x4d: {  	_ = 	snop  }
0x4e: {  	[tilespmem:s25], [sflag:$0x1] =	stream.indirect_vreg.gather [hbm4b:s3+s2], $0x80, v3, vm0, $0xb8;
	[tilespmem:$0x8080] =	vst v63  }
0x4f: {  	_ = 	snop  }
0x50: {  	[tilespmem:s26], [sflag:$0x1] =	stream.indirect_vreg.gather [hbm4b:s5+s2], $0x80, v3, vm0, $0xb8;
	[tilespmem:$0x8080] =	vst v63  }
0x51: {  	_ =	swait.ge [sflag:s28], $0x8000  }
0x52: {  	[sflag:s28] =	ssyncset.done $0x0  }
0x53: {  	[sflag:s28] =	ssyncadd.s32 $0xFFFF8000  }
0x54: {  	[hbm4b:s6+s2] =	stream.linear.scatter [tilespmem:s11], [sflag:$0x2], $0x8000, $0x38;
	[tilespmem:$0x8080] =	vst v63  }
0x55: {  	_ =	swait.ge [sflag:s10], $0x8000  }
0x56: {  	[sflag:s10] =	ssyncset.done $0x0  }
0x57: {  	[sflag:s10] =	ssyncadd.s32 $0xFFFF8000  }
0x58: {  	[tilespmem:s2], [sflag:$0x2] =	stream.linear.gather [hbm4b:s7+s2], $0x40, $0x38;
	[tilespmem:$0x8080] =	vst v63  }
0x59: {  	_ =	swait.ge [sflag:s10], $0x40  }
0x5a: {  	[sflag:s10] =	ssyncset.done $0x0  }
0x5b: {  	[sflag:s10] =	ssyncadd.s32 $0xFFFFFFC0  }
0x5c: {  	v3 =	vld [tilespmem:$0x0];
	_ =	sdelay $0x4  }
0x5d: {  	v60 =	vshll.u32 v3, $0x2  }
0x5e: {  	v3 =	vand.u32 $0x7, v3;
	v4 =	vand.u32 $0xFFFFFFE0, v60  }
0x5f: {  	v3 =	vor.u32 v3, v4  }
0x60: {  	v4 =	vperm.xlane v3, v0;
	_ =	sdelay $0x1  }
0x61: {  	v4 =	vadd.s32 v1, v4;
	_ =	sdelay $0x1  }
0x62: {  	v3 =	vperm.xlane v3, v2;
	_ =	sdelay $0x1  }
0x63: {  	v3 =	vadd.s32 v1, v3  }
0x64: {  	[tilespmem:s11], [sflag:$0x1] =	stream.indirect_vreg.gather [hbm4b:s3+s2], $0x80, v4, vm0, $0xb8;
	[tilespmem:$0x8080] =	vst v63  }
0x65: {  	_ = 	snop  }
0x66: {  	[tilespmem:s12], [sflag:$0x1] =	stream.indirect_vreg.gather [hbm4b:s5+s2], $0x80, v4, vm0, $0xb8;
	[tilespmem:$0x8080] =	vst v63  }
0x67: {  	_ = 	snop  }
0x68: {  	[tilespmem:s13], [sflag:$0x1] =	stream.indirect_vreg.gather [hbm4b:s3+s2], $0x80, v3, vm0, $0xb8;
	[tilespmem:$0x8080] =	vst v63  }
0x69: {  	_ = 	snop  }
0x6a: {  	[tilespmem:s14], [sflag:$0x1] =	stream.indirect_vreg.gather [hbm4b:s5+s2], $0x80, v3, vm0, $0xb8;
	[tilespmem:$0x8080] =	vst v63  }
0x6b: {  	v3 =	vld [tilespmem:$0x10];
	_ =	sdelay $0x4  }
0x6c: {  	v61 =	vshll.u32 v3, $0x2  }
0x6d: {  	v3 =	vand.u32 $0x7, v3;
	v4 =	vand.u32 $0xFFFFFFE0, v61  }
0x6e: {  	v3 =	vor.u32 v3, v4  }
0x6f: {  	v4 =	vperm.xlane v3, v0;
	_ =	sdelay $0x1  }
0x70: {  	v4 =	vadd.s32 v1, v4;
	_ =	sdelay $0x1  }
0x71: {  	v3 =	vperm.xlane v3, v2;
	_ =	sdelay $0x1  }
0x72: {  	v3 =	vadd.s32 v1, v3  }
0x73: {  	[tilespmem:s15], [sflag:$0x1] =	stream.indirect_vreg.gather [hbm4b:s3+s2], $0x80, v4, vm0, $0xb8;
	[tilespmem:$0x8080] =	vst v63  }
0x74: {  	_ = 	snop  }
0x75: {  	[tilespmem:s16], [sflag:$0x1] =	stream.indirect_vreg.gather [hbm4b:s5+s2], $0x80, v4, vm0, $0xb8;
	[tilespmem:$0x8080] =	vst v63  }
0x76: {  	_ = 	snop  }
0x77: {  	[tilespmem:s17], [sflag:$0x1] =	stream.indirect_vreg.gather [hbm4b:s3+s2], $0x80, v3, vm0, $0xb8;
	[tilespmem:$0x8080] =	vst v63  }
0x78: {  	_ = 	snop  }
0x79: {  	[tilespmem:s18], [sflag:$0x1] =	stream.indirect_vreg.gather [hbm4b:s5+s2], $0x80, v3, vm0, $0xb8;
	[tilespmem:$0x8080] =	vst v63  }
0x7a: {  	v3 =	vld [tilespmem:$0x20];
	_ =	sdelay $0x4  }
0x7b: {  	v62 =	vshll.u32 v3, $0x2  }
0x7c: {  	v3 =	vand.u32 $0x7, v3;
	v4 =	vand.u32 $0xFFFFFFE0, v62  }
0x7d: {  	v3 =	vor.u32 v3, v4  }
0x7e: {  	v4 =	vperm.xlane v3, v0;
	_ =	sdelay $0x1  }
0x7f: {  	v4 =	vadd.s32 v1, v4;
	_ =	sdelay $0x1  }
0x80: {  	v3 =	vperm.xlane v3, v2;
	_ =	sdelay $0x1  }
0x81: {  	v3 =	vadd.s32 v1, v3  }
0x82: {  	[tilespmem:s19], [sflag:$0x1] =	stream.indirect_vreg.gather [hbm4b:s3+s2], $0x80, v4, vm0, $0xb8;
	[tilespmem:$0x8080] =	vst v63  }
0x83: {  	_ = 	snop  }
0x84: {  	[tilespmem:s20], [sflag:$0x1] =	stream.indirect_vreg.gather [hbm4b:s5+s2], $0x80, v4, vm0, $0xb8;
	[tilespmem:$0x8080] =	vst v63  }
0x85: {  	_ = 	snop  }
0x86: {  	[tilespmem:s21], [sflag:$0x1] =	stream.indirect_vreg.gather [hbm4b:s3+s2], $0x80, v3, vm0, $0xb8;
	[tilespmem:$0x8080] =	vst v63  }
0x87: {  	_ = 	snop  }
0x88: {  	[tilespmem:s22], [sflag:$0x1] =	stream.indirect_vreg.gather [hbm4b:s5+s2], $0x80, v3, vm0, $0xb8;
	[tilespmem:$0x8080] =	vst v63  }
0x89: {  	v3 =	vld [tilespmem:$0x30];
	_ =	sdelay $0x4  }
0x8a: {  	v63 =	vshll.u32 v3, $0x2  }
0x8b: {  	v3 =	vand.u32 $0x7, v3;
	v4 =	vand.u32 $0xFFFFFFE0, v63  }
0x8c: {  	v3 =	vor.u32 v3, v4  }
0x8d: {  	v4 =	vperm.xlane v3, v0;
	_ =	sdelay $0x1  }
0x8e: {  	v4 =	vadd.s32 v1, v4;
	_ =	sdelay $0x1  }
0x8f: {  	v3 =	vperm.xlane v3, v2;
	_ =	sdelay $0x1  }
0x90: {  	v3 =	vadd.s32 v1, v3  }
0x91: {  	[tilespmem:s23], [sflag:$0x1] =	stream.indirect_vreg.gather [hbm4b:s3+s2], $0x80, v4, vm0, $0xb8;
	[tilespmem:$0x8080] =	vst v63  }
0x92: {  	_ = 	snop  }
0x93: {  	[tilespmem:s24], [sflag:$0x1] =	stream.indirect_vreg.gather [hbm4b:s5+s2], $0x80, v4, vm0, $0xb8;
	[tilespmem:$0x8080] =	vst v63  }
0x94: {  	_ = 	snop  }
0x95: {  	[tilespmem:s25], [sflag:$0x1] =	stream.indirect_vreg.gather [hbm4b:s3+s2], $0x80, v3, vm0, $0xb8;
	[tilespmem:$0x8080] =	vst v63  }
0x96: {  	_ = 	snop  }
0x97: {  	[tilespmem:s26], [sflag:$0x1] =	stream.indirect_vreg.gather [hbm4b:s5+s2], $0x80, v3, vm0, $0xb8;
	[tilespmem:$0x8080] =	vst v63  }
0x98: {  	_ =	swait.ge [sflag:s28], $0x8000  }
0x99: {  	p0 =	sne.s32 s9, $0x1;
	[sflag:s28] =	ssyncset.done $0x0  }
.Ltmp0:
0x9a: {  	[sflag:s28] =	ssyncadd.s32 $0xFFFF8000;
	(pc) =	sbr.rel @p0 .LBB2_1-.Ltmp0, $4  }
0x9b: {  	[hbm4b:s8+s2] =	stream.linear.scatter [tilespmem:s11], [sflag:$0x2], $0x8000, $0x38;
	[tilespmem:$0x8080] =	vst v63  }
0x9c: {  	_ =	swait.ge [sflag:s10], $0x8000  }
0x9d: {  	[sflag:s10] =	ssyncset.done $0x0  }
0x9e: {  	s9 =	sadd.s32 $0xFFFFFFFF, s9;
	[sflag:s10] =	ssyncadd.s32 $0xFFFF8000  }
0x9f: {  	_ =	sfence.sel $0x180000  }
0xa0: {  	[bflag:$0x0] =	sbarrier.arrive $0xFFFF  }
0xa1: {  	p0 =	sne.s32 s1, $0x0;
	_ =	strace $0x9000004A  }
0xa2: {  	s0 =	sadd.s32 @!p0 $0x100000, s0;
	[bflag:$0x2] =	sbarrier.arrive $0xFFFF  }
0xa3: {  	[sflag:s0] =	ssyncadd.tile.s32 @!p0 $0x1;
	_ =	shalt  }
.Lfunc_end2:
_tile_overlayer_lowered:
.L_overlay_start_2:
0xa4: {  	(tag) =	ssettag $0x2  }
0xa5: {  	s0 =	rddreg [dreg:$0x0];
	s2 =	stileid.u32  }
0xa6: {  	s1 =	rddreg [dreg:$0x1];
	p0 =	sne.s32 s2, $0x0  }
0xa7: {  	s3 =	rddreg [dreg:$0x2];
	[bflag:$0x3] =	sbarrier.arrive $0xFFFF;
	s2 =	simm.s32 @!p0 $0x1C02  }
0xa8: {  	[timem:s3], [sflag:s2] =	dma.local @!p0 [hbm:s0], s1  }
0xa9: {  	s0 =	simm.s32 @!p0 $0x2  }
0xaa: {  	_ =	swait.ge @!p0 [sflag:s0], s1  }
0xab: {  	s1 =	ssub.s32 @!p0 $0x0, s1;
	[sflag:s0] =	ssyncset.done @!p0 $0x0  }
0xac: {  	[sflag:s0] =	ssyncadd.s32 @!p0 s1  }
0xad: {  	[bflag:$0x3] =	sbarrier.arrive $0xFFFF  }
0xae: {  	_ =	shalt  }

</sc_bundles>
